<compile_context>
chip_gen: v7x
topology: tpu7x:2x2x1
jax: 0.10.2.dev20260603
libtpu: 0.0.44.dev20260713+nightly
codegen_flags: <defaults>
</compile_context>

<pallas_src>
import functools
import math

import jax
import jax.numpy as jnp
import numpy as np
from jax import lax
from jax.experimental import pallas as pl
from jax.experimental.pallas import tpu as pltpu
from jax.experimental.pallas import tpu_sc as plsc

D_MODEL = 1024
LANES = 16
NC = 2
NS = 16
NW = NC * NS
CHUNK = 16
NBUF = 4
TC_ROWS = 1024


def _pe_table(seq_len: int, d_model: int) -> np.ndarray:
    position = np.arange(seq_len, dtype=np.float32)[:, None]
    div_term = np.exp(
        np.arange(0, d_model, 2, dtype=np.float32) * (-math.log(10000.0) / d_model)
    )
    angles = position * div_term[None, :]
    pe = np.zeros((seq_len, d_model), dtype=np.float32)
    pe[:, 0::2] = np.sin(angles)
    pe[:, 1::2] = np.cos(angles)
    return pe


def _sc_gather(idx, W):
    B = idx.shape[0]
    BPW = B // NW
    NCH = BPW // CHUNK

    mesh = plsc.VectorSubcoreMesh(core_axis_name="c", subcore_axis_name="s")

    @functools.partial(
        pl.kernel,
        mesh=mesh,
        out_type=jax.ShapeDtypeStruct((B, D_MODEL), jnp.float32),
        scratch_types=[
            pltpu.VMEM((BPW,), jnp.int32),
            pltpu.VMEM((CHUNK, D_MODEL), jnp.float32),
            pltpu.VMEM((CHUNK, D_MODEL), jnp.float32),
            pltpu.VMEM((CHUNK, D_MODEL), jnp.float32),
            pltpu.VMEM((CHUNK, D_MODEL), jnp.float32),
            pltpu.SemaphoreType.DMA,
            pltpu.SemaphoreType.DMA,
            pltpu.SemaphoreType.DMA,
            pltpu.SemaphoreType.DMA,
            pltpu.SemaphoreType.DMA,
            pltpu.SemaphoreType.DMA,
            pltpu.SemaphoreType.DMA,
            pltpu.SemaphoreType.DMA,
        ],
    )
    def body(idx_hbm, w_hbm, out_hbm, idx_v, b0, b1, b2, b3,
             g0, g1, g2, g3, o0, o1, o2, o3):
        cid = lax.axis_index("c")
        sid = lax.axis_index("s")
        wid = sid * NC + cid
        base = wid * BPW
        pltpu.sync_copy(idx_hbm.at[pl.ds(base, BPW)], idx_v)

        bufs = (b0, b1, b2, b3)
        gsems = (g0, g1, g2, g3)
        osems = (o0, o1, o2, o3)

        def gather_chunk(c, p):
            pltpu.async_copy(
                w_hbm.at[idx_v.at[pl.ds(c * CHUNK, CHUNK)]], bufs[p], gsems[p])

        def wait_gather(p):
            pltpu.make_async_copy(
                w_hbm.at[pl.ds(0, CHUNK)], bufs[p], gsems[p]).wait()

        def out_chunk(c, p):
            pltpu.async_copy(
                bufs[p], out_hbm.at[pl.ds(base + c * CHUNK, CHUNK)], osems[p])

        def wait_out(p):
            pltpu.make_async_copy(
                bufs[p], out_hbm.at[pl.ds(0, CHUNK)], osems[p]).wait()

        for c in range(NBUF - 1):
            gather_chunk(c, c)

        wait_gather(0)
        out_chunk(0, 0)
        gather_chunk(NBUF - 1, NBUF - 1)

        def lbody(t, carry):
            for k in range(NBUF):
                c = NBUF * t + k + 1
                p = (k + 1) % NBUF
                wait_gather(p)
                out_chunk(c, p)
                wait_out(k)
                gather_chunk(c + NBUF - 1, k)
            return carry

        lax.fori_loop(0, (NCH - NBUF) // NBUF, lbody, 0)

        for c in range(NCH - NBUF + 1, NCH):
            p = c % NBUF
            wait_gather(p)
            out_chunk(c, p)
            wait_out((c - 1) % NBUF)
        wait_out((NCH - 1) % NBUF)

    return body(idx, W)


def _tc_embed_ln(rows, pe, gamma, beta):
    B = rows.shape[0]
    S = pe.shape[0]
    scale = float(math.sqrt(D_MODEL))
    nblk = B // TC_ROWS
    pe_blocks = S // TC_ROWS

    nbatch = nblk // pe_blocks

    def body(x_ref, pe_ref, g_ref, b_ref, o_ref):
        h = x_ref[...] * scale + pe_ref[...]
        mu = jnp.mean(h, axis=-1, keepdims=True)
        d = h - mu
        var = jnp.mean(d * d, axis=-1, keepdims=True)
        o_ref[...] = d * lax.rsqrt(var + 1e-5) * g_ref[...] + b_ref[...]

    return pl.pallas_call(
        body,
        grid=(pe_blocks, nbatch),
        in_specs=[
            pl.BlockSpec((TC_ROWS, D_MODEL), lambda i, b: (b * pe_blocks + i, 0)),
            pl.BlockSpec((TC_ROWS, D_MODEL), lambda i, b: (i, 0)),
            pl.BlockSpec((1, D_MODEL), lambda i, b: (0, 0)),
            pl.BlockSpec((1, D_MODEL), lambda i, b: (0, 0)),
        ],
        out_specs=pl.BlockSpec((TC_ROWS, D_MODEL), lambda i, b: (b * pe_blocks + i, 0)),
        out_shape=jax.ShapeDtypeStruct((B, D_MODEL), jnp.float32),
    )(rows, pe, gamma, beta)


def kernel(x, W, gamma, beta):
    bsz, seq = x.shape
    idx = x.reshape(-1).astype(jnp.int32)
    pe = jnp.asarray(_pe_table(seq, D_MODEL))
    rows = _sc_gather(idx, W)
    out = _tc_embed_ln(rows, pe, gamma.reshape(1, -1), beta.reshape(1, -1))
    return out.reshape(bsz, seq, D_MODEL)

# --- scband reference (transcript-rebuilt; emitter-appended) ---
"""Pipeline reference for scband-embedding-layer-88029649699673 (READ-ONLY COPY).

The authoritative reference and input builder live on the scoring server;
editing this copy changes nothing except your own understanding.
"""

import jax, jax.numpy as jnp
import numpy as np
import math

VOCAB = 100000
D_MODEL = 1024
MAX_SEQ = 2048


def make_pe(seq_len, d_model):
    position = jnp.arange(seq_len, dtype=jnp.float32)[:, None]
    div_term = jnp.exp(jnp.arange(0, d_model, 2, dtype=jnp.float32) * (-math.log(10000.0) / d_model))
    angles = position * div_term[None, :]
    pe = jnp.zeros((seq_len, d_model), dtype=jnp.float32)
    pe = pe.at[:, 0::2].set(jnp.sin(angles))
    pe = pe.at[:, 1::2].set(jnp.cos(angles))
    return pe


def setup_inputs(seed: int = 0) -> dict:
    key = jax.random.key(seed)
    k1, k2 = jax.random.split(key)
    x = jax.random.randint(k1, (4, 2048), 0, VOCAB, dtype=jnp.int64 if jax.config.jax_enable_x64 else jnp.int32)
    W = jax.random.normal(k2, (VOCAB, D_MODEL), dtype=jnp.float32) * 0.02
    W = W.at[0].set(0.0)  # padding_idx = 0
    gamma = jnp.ones((D_MODEL,), dtype=jnp.float32)
    beta = jnp.zeros((D_MODEL,), dtype=jnp.float32)
    return {"x": x, "W": W, "gamma": gamma, "beta": beta}


def layer_norm(h, gamma, beta, eps=1e-5):
    mu = jnp.mean(h, axis=-1, keepdims=True)
    var = jnp.mean((h - mu) ** 2, axis=-1, keepdims=True)
    return (h - mu) / jnp.sqrt(var + eps) * gamma + beta


def reference(x, W, gamma, beta):
    # TokenEmbedding: gather + scale by sqrt(d_model)
    emb = jnp.take(W, x, axis=0) * math.sqrt(D_MODEL)
    # Sinusoidal positional encoding (dropout=0.0 -> identity)
    seq_len = x.shape[1]
    pe = make_pe(seq_len, D_MODEL)
    h = emb + pe[None, :, :]
    # LayerNorm (use_norm = True)
    out = layer_norm(h, gamma, beta)
    return out

if __name__ == "__main__":
    import jax
    _d = setup_inputs()
    print(jax.jit(kernel)(*tuple(_d.values())))

</pallas_src>

<mosaic_0001>
#map = affine_map<(d0, d1) -> (0)>
#map1 = affine_map<(d0, d1) -> (0, 0)>
module attributes {stable_mosaic.version = 14 : i64} {
  func.func @body(%arg0: i32, %arg1: i32, %arg2: memref<8192xi32, #tpu.memory_space<hbm>>, %arg3: memref<100000x1024xf32, #tpu.memory_space<hbm>>, %arg4: memref<8192x1024xf32, #tpu.memory_space<hbm>>, %arg5: memref<256xi32, #tpu.memory_space<vmem>>, %arg6: memref<16x1024xf32, #tpu.memory_space<vmem>>, %arg7: memref<16x1024xf32, #tpu.memory_space<vmem>>, %arg8: memref<16x1024xf32, #tpu.memory_space<vmem>>, %arg9: memref<16x1024xf32, #tpu.memory_space<vmem>>, %arg10: memref<!tpu.dma_semaphore, #tpu.memory_space<semaphore_mem>>, %arg11: memref<!tpu.dma_semaphore, #tpu.memory_space<semaphore_mem>>, %arg12: memref<!tpu.dma_semaphore, #tpu.memory_space<semaphore_mem>>, %arg13: memref<!tpu.dma_semaphore, #tpu.memory_space<semaphore_mem>>, %arg14: memref<!tpu.dma_semaphore, #tpu.memory_space<semaphore_mem>>, %arg15: memref<!tpu.dma_semaphore, #tpu.memory_space<semaphore_mem>>, %arg16: memref<!tpu.dma_semaphore, #tpu.memory_space<semaphore_mem>>, %arg17: memref<!tpu.dma_semaphore, #tpu.memory_space<semaphore_mem>>) attributes {dimension_semantics = [#tpu.dimension_semantics<core_parallel>, #tpu.dimension_semantics<subcore_parallel>], iteration_bounds = array<i64: 2, 16>, scalar_prefetch = 0 : i64, scratch_operands = 13 : i64, tpu.core_type = #tpu.core_type<sc_vector_subcore>, window_params = [{transform_indices = #map}, {transform_indices = #map1}, {transform_indices = #map1}]} {
    %mul3A = arith.constant 2 : i32
    %mul3A_0 = arith.muli %arg1, %mul3A : i32
    %add3A = arith.addi %mul3A_0, %arg0 : i32
    %mul3A_1 = arith.constant 256 : i32
    %mul3A_2 = arith.muli %add3A, %mul3A_1 : i32
    "tpu.region"() ({
      %run_scoped3A = tpu.sem_alloc : memref<!tpu.dma_semaphore, #tpu.memory_space<semaphore_mem>>
      %dma_start3A_98 = tpu.memref_slice %arg2[%mul3A_2] : memref<8192xi32, #tpu.memory_space<hbm>> -> memref<256xi32, #tpu.memory_space<hbm>>
      %dma_start3A_99 = tpu.memref_slice %arg2[%mul3A_2] : memref<8192xi32, #tpu.memory_space<hbm>> -> memref<256xi32, #tpu.memory_space<hbm>>
      tpu.enqueue_dma source(%dma_start3A_99 : memref<256xi32, #tpu.memory_space<hbm>>) target(%arg5 : memref<256xi32, #tpu.memory_space<vmem>>) target_semaphore(%run_scoped3A : memref<!tpu.dma_semaphore, #tpu.memory_space<semaphore_mem>>)
      %dma_wait3A_100 = tpu.memref_slice %arg2[%mul3A_2] : memref<8192xi32, #tpu.memory_space<hbm>> -> memref<256xi32, #tpu.memory_space<hbm>>
      %dma_wait3A_101 = tpu.memref_slice %arg2[%mul3A_2] : memref<8192xi32, #tpu.memory_space<hbm>> -> memref<256xi32, #tpu.memory_space<hbm>>
      tpu.wait_dma2 semaphore(%run_scoped3A : memref<!tpu.dma_semaphore, #tpu.memory_space<semaphore_mem>>) src(%dma_wait3A_101 : memref<256xi32, #tpu.memory_space<hbm>>) dst(%arg5 : memref<256xi32, #tpu.memory_space<vmem>>)
      tpu.yield
    }) : () -> ()
    %dma_start3A = arith.constant 0 : i32
    %dma_start3A_3 = tpu.memref_slice %arg5[%dma_start3A] : memref<256xi32, #tpu.memory_space<vmem>> -> memref<16xi32, #tpu.memory_space<vmem>>
    %dma_start3A_4 = arith.constant 0 : i32
    %dma_start3A_5 = arith.constant 0 : i32
    %dma_start3A_6 = tpu.memref_slice %arg3[%dma_start3A_4, %dma_start3A_5] : memref<100000x1024xf32, #tpu.memory_space<hbm>> -> memref<100000x1024xf32, #tpu.memory_space<hbm>>
    tpu.enqueue_indirect_dma source(%dma_start3A_6 : memref<100000x1024xf32, #tpu.memory_space<hbm>>) target(%arg6 : memref<16x1024xf32, #tpu.memory_space<vmem>>) offsets(%dma_start3A_3 : memref<16xi32, #tpu.memory_space<vmem>>) semaphore(%arg10 : memref<!tpu.dma_semaphore, #tpu.memory_space<semaphore_mem>>)
    %dma_start3A_7 = arith.constant 16 : i32
    %dma_start3A_8 = tpu.memref_slice %arg5[%dma_start3A_7] : memref<256xi32, #tpu.memory_space<vmem>> -> memref<16xi32, #tpu.memory_space<vmem>>
    %dma_start3A_9 = arith.constant 0 : i32
    %dma_start3A_10 = arith.constant 0 : i32
    %dma_start3A_11 = tpu.memref_slice %arg3[%dma_start3A_9, %dma_start3A_10] : memref<100000x1024xf32, #tpu.memory_space<hbm>> -> memref<100000x1024xf32, #tpu.memory_space<hbm>>
    tpu.enqueue_indirect_dma source(%dma_start3A_11 : memref<100000x1024xf32, #tpu.memory_space<hbm>>) target(%arg7 : memref<16x1024xf32, #tpu.memory_space<vmem>>) offsets(%dma_start3A_8 : memref<16xi32, #tpu.memory_space<vmem>>) semaphore(%arg11 : memref<!tpu.dma_semaphore, #tpu.memory_space<semaphore_mem>>)
    %dma_start3A_12 = arith.constant 32 : i32
    %dma_start3A_13 = tpu.memref_slice %arg5[%dma_start3A_12] : memref<256xi32, #tpu.memory_space<vmem>> -> memref<16xi32, #tpu.memory_space<vmem>>
    %dma_start3A_14 = arith.constant 0 : i32
    %dma_start3A_15 = arith.constant 0 : i32
    %dma_start3A_16 = tpu.memref_slice %arg3[%dma_start3A_14, %dma_start3A_15] : memref<100000x1024xf32, #tpu.memory_space<hbm>> -> memref<100000x1024xf32, #tpu.memory_space<hbm>>
    tpu.enqueue_indirect_dma source(%dma_start3A_16 : memref<100000x1024xf32, #tpu.memory_space<hbm>>) target(%arg8 : memref<16x1024xf32, #tpu.memory_space<vmem>>) offsets(%dma_start3A_13 : memref<16xi32, #tpu.memory_space<vmem>>) semaphore(%arg12 : memref<!tpu.dma_semaphore, #tpu.memory_space<semaphore_mem>>)
    %dma_wait3A = arith.constant 0 : i32
    %dma_wait3A_17 = arith.constant 0 : i32
    %dma_wait3A_18 = tpu.memref_slice %arg3[%dma_wait3A, %dma_wait3A_17] : memref<100000x1024xf32, #tpu.memory_space<hbm>> -> memref<16x1024xf32, #tpu.memory_space<hbm>>
    %dma_wait3A_19 = arith.constant 0 : i32
    %dma_wait3A_20 = arith.constant 0 : i32
    %dma_wait3A_21 = tpu.memref_slice %arg3[%dma_wait3A_19, %dma_wait3A_20] : memref<100000x1024xf32, #tpu.memory_space<hbm>> -> memref<16x1024xf32, #tpu.memory_space<hbm>>
    tpu.wait_dma2 semaphore(%arg10 : memref<!tpu.dma_semaphore, #tpu.memory_space<semaphore_mem>>) src(%dma_wait3A_21 : memref<16x1024xf32, #tpu.memory_space<hbm>>) dst(%arg6 : memref<16x1024xf32, #tpu.memory_space<vmem>>)
    %add3A_22 = arith.constant 0 : i32
    %add3A_23 = arith.addi %mul3A_2, %add3A_22 : i32
    %dma_start3A_24 = arith.constant 0 : i32
    %dma_start3A_25 = tpu.memref_slice %arg4[%add3A_23, %dma_start3A_24] : memref<8192x1024xf32, #tpu.memory_space<hbm>> -> memref<16x1024xf32, #tpu.memory_space<hbm>>
    %dma_start3A_26 = arith.constant 0 : i32
    %dma_start3A_27 = tpu.memref_slice %arg4[%add3A_23, %dma_start3A_26] : memref<8192x1024xf32, #tpu.memory_space<hbm>> -> memref<16x1024xf32, #tpu.memory_space<hbm>>
    tpu.enqueue_dma source(%arg6 : memref<16x1024xf32, #tpu.memory_space<vmem>>) target(%dma_start3A_27 : memref<16x1024xf32, #tpu.memory_space<hbm>>) target_semaphore(%arg14 : memref<!tpu.dma_semaphore, #tpu.memory_space<semaphore_mem>>)
    %dma_start3A_28 = arith.constant 48 : i32
    %dma_start3A_29 = tpu.memref_slice %arg5[%dma_start3A_28] : memref<256xi32, #tpu.memory_space<vmem>> -> memref<16xi32, #tpu.memory_space<vmem>>
    %dma_start3A_30 = arith.constant 0 : i32
    %dma_start3A_31 = arith.constant 0 : i32
    %dma_start3A_32 = tpu.memref_slice %arg3[%dma_start3A_30, %dma_start3A_31] : memref<100000x1024xf32, #tpu.memory_space<hbm>> -> memref<100000x1024xf32, #tpu.memory_space<hbm>>
    tpu.enqueue_indirect_dma source(%dma_start3A_32 : memref<100000x1024xf32, #tpu.memory_space<hbm>>) target(%arg9 : memref<16x1024xf32, #tpu.memory_space<vmem>>) offsets(%dma_start3A_29 : memref<16xi32, #tpu.memory_space<vmem>>) semaphore(%arg13 : memref<!tpu.dma_semaphore, #tpu.memory_space<semaphore_mem>>)
    %scan3A = arith.constant 0 : i32
    %scan3A_33 = arith.constant 0 : i32
    %scan3A_34 = arith.constant 3 : i32
    %scan3A_35 = arith.addi %scan3A_33, %scan3A_34 : i32
    %scan3A_36 = arith.constant 1 : i32
    scf.for %scan3A_98 = %scan3A_33 to %scan3A_35 step %scan3A_36  : i32 {
      %mul3A_99 = arith.constant 4 : i32
      %mul3A_100 = arith.muli %mul3A_99, %scan3A_98 : i32
      %add3A_101 = arith.constant 0 : i32
      %add3A_102 = arith.addi %mul3A_100, %add3A_101 : i32
      %add3A_103 = arith.constant 1 : i32
      %add3A_104 = arith.addi %add3A_102, %add3A_103 : i32
      %dma_wait3A_105 = arith.constant 0 : i32
      %dma_wait3A_106 = arith.constant 0 : i32
      %dma_wait3A_107 = tpu.memref_slice %arg3[%dma_wait3A_105, %dma_wait3A_106] : memref<100000x1024xf32, #tpu.memory_space<hbm>> -> memref<16x1024xf32, #tpu.memory_space<hbm>>
      %dma_wait3A_108 = arith.constant 0 : i32
      %dma_wait3A_109 = arith.constant 0 : i32
      %dma_wait3A_110 = tpu.memref_slice %arg3[%dma_wait3A_108, %dma_wait3A_109] : memref<100000x1024xf32, #tpu.memory_space<hbm>> -> memref<16x1024xf32, #tpu.memory_space<hbm>>
      tpu.wait_dma2 semaphore(%arg11 : memref<!tpu.dma_semaphore, #tpu.memory_space<semaphore_mem>>) src(%dma_wait3A_110 : memref<16x1024xf32, #tpu.memory_space<hbm>>) dst(%arg7 : memref<16x1024xf32, #tpu.memory_space<vmem>>)
      %mul3A_111 = arith.constant 16 : i32
      %mul3A_112 = arith.muli %add3A_104, %mul3A_111 : i32
      %add3A_113 = arith.addi %mul3A_2, %mul3A_112 : i32
      %dma_start3A_114 = arith.constant 0 : i32
      %dma_start3A_115 = tpu.memref_slice %arg4[%add3A_113, %dma_start3A_114] : memref<8192x1024xf32, #tpu.memory_space<hbm>> -> memref<16x1024xf32, #tpu.memory_space<hbm>>
      %dma_start3A_116 = arith.constant 0 : i32
      %dma_start3A_117 = tpu.memref_slice %arg4[%add3A_113, %dma_start3A_116] : memref<8192x1024xf32, #tpu.memory_space<hbm>> -> memref<16x1024xf32, #tpu.memory_space<hbm>>
      tpu.enqueue_dma source(%arg7 : memref<16x1024xf32, #tpu.memory_space<vmem>>) target(%dma_start3A_117 : memref<16x1024xf32, #tpu.memory_space<hbm>>) target_semaphore(%arg15 : memref<!tpu.dma_semaphore, #tpu.memory_space<semaphore_mem>>)
      %dma_wait3A_118 = arith.constant 0 : i32
      %dma_wait3A_119 = arith.constant 0 : i32
      %dma_wait3A_120 = tpu.memref_slice %arg4[%dma_wait3A_118, %dma_wait3A_119] : memref<8192x1024xf32, #tpu.memory_space<hbm>> -> memref<16x1024xf32, #tpu.memory_space<hbm>>
      %dma_wait3A_121 = arith.constant 0 : i32
      %dma_wait3A_122 = arith.constant 0 : i32
      %dma_wait3A_123 = tpu.memref_slice %arg4[%dma_wait3A_121, %dma_wait3A_122] : memref<8192x1024xf32, #tpu.memory_space<hbm>> -> memref<16x1024xf32, #tpu.memory_space<hbm>>
      tpu.wait_dma2 semaphore(%arg14 : memref<!tpu.dma_semaphore, #tpu.memory_space<semaphore_mem>>) src(%arg6 : memref<16x1024xf32, #tpu.memory_space<vmem>>) dst(%dma_wait3A_123 : memref<16x1024xf32, #tpu.memory_space<hbm>>)
      %add3A_124 = arith.constant 4 : i32
      %add3A_125 = arith.addi %add3A_104, %add3A_124 : i32
      %sub3A = arith.constant 1 : i32
      %sub3A_126 = arith.subi %add3A_125, %sub3A : i32
      %mul3A_127 = arith.constant 16 : i32
      %mul3A_128 = arith.muli %sub3A_126, %mul3A_127 : i32
      %dma_start3A_129 = tpu.memref_slice %arg5[%mul3A_128] : memref<256xi32, #tpu.memory_space<vmem>> -> memref<16xi32, #tpu.memory_space<vmem>>
      %dma_start3A_130 = arith.constant 0 : i32
      %dma_start3A_131 = arith.constant 0 : i32
      %dma_start3A_132 = tpu.memref_slice %arg3[%dma_start3A_130, %dma_start3A_131] : memref<100000x1024xf32, #tpu.memory_space<hbm>> -> memref<100000x1024xf32, #tpu.memory_space<hbm>>
      tpu.enqueue_indirect_dma source(%dma_start3A_132 : memref<100000x1024xf32, #tpu.memory_space<hbm>>) target(%arg6 : memref<16x1024xf32, #tpu.memory_space<vmem>>) offsets(%dma_start3A_129 : memref<16xi32, #tpu.memory_space<vmem>>) semaphore(%arg10 : memref<!tpu.dma_semaphore, #tpu.memory_space<semaphore_mem>>)
      %mul3A_133 = arith.constant 4 : i32
      %mul3A_134 = arith.muli %mul3A_133, %scan3A_98 : i32
      %add3A_135 = arith.constant 1 : i32
      %add3A_136 = arith.addi %mul3A_134, %add3A_135 : i32
      %add3A_137 = arith.constant 1 : i32
      %add3A_138 = arith.addi %add3A_136, %add3A_137 : i32
      %dma_wait3A_139 = arith.constant 0 : i32
      %dma_wait3A_140 = arith.constant 0 : i32
      %dma_wait3A_141 = tpu.memref_slice %arg3[%dma_wait3A_139, %dma_wait3A_140] : memref<100000x1024xf32, #tpu.memory_space<hbm>> -> memref<16x1024xf32, #tpu.memory_space<hbm>>
      %dma_wait3A_142 = arith.constant 0 : i32
      %dma_wait3A_143 = arith.constant 0 : i32
      %dma_wait3A_144 = tpu.memref_slice %arg3[%dma_wait3A_142, %dma_wait3A_143] : memref<100000x1024xf32, #tpu.memory_space<hbm>> -> memref<16x1024xf32, #tpu.memory_space<hbm>>
      tpu.wait_dma2 semaphore(%arg12 : memref<!tpu.dma_semaphore, #tpu.memory_space<semaphore_mem>>) src(%dma_wait3A_144 : memref<16x1024xf32, #tpu.memory_space<hbm>>) dst(%arg8 : memref<16x1024xf32, #tpu.memory_space<vmem>>)
      %mul3A_145 = arith.constant 16 : i32
      %mul3A_146 = arith.muli %add3A_138, %mul3A_145 : i32
      %add3A_147 = arith.addi %mul3A_2, %mul3A_146 : i32
      %dma_start3A_148 = arith.constant 0 : i32
      %dma_start3A_149 = tpu.memref_slice %arg4[%add3A_147, %dma_start3A_148] : memref<8192x1024xf32, #tpu.memory_space<hbm>> -> memref<16x1024xf32, #tpu.memory_space<hbm>>
      %dma_start3A_150 = arith.constant 0 : i32
      %dma_start3A_151 = tpu.memref_slice %arg4[%add3A_147, %dma_start3A_150] : memref<8192x1024xf32, #tpu.memory_space<hbm>> -> memref<16x1024xf32, #tpu.memory_space<hbm>>
      tpu.enqueue_dma source(%arg8 : memref<16x1024xf32, #tpu.memory_space<vmem>>) target(%dma_start3A_151 : memref<16x1024xf32, #tpu.memory_space<hbm>>) target_semaphore(%arg16 : memref<!tpu.dma_semaphore, #tpu.memory_space<semaphore_mem>>)
      %dma_wait3A_152 = arith.constant 0 : i32
      %dma_wait3A_153 = arith.constant 0 : i32
      %dma_wait3A_154 = tpu.memref_slice %arg4[%dma_wait3A_152, %dma_wait3A_153] : memref<8192x1024xf32, #tpu.memory_space<hbm>> -> memref<16x1024xf32, #tpu.memory_space<hbm>>
      %dma_wait3A_155 = arith.constant 0 : i32
      %dma_wait3A_156 = arith.constant 0 : i32
      %dma_wait3A_157 = tpu.memref_slice %arg4[%dma_wait3A_155, %dma_wait3A_156] : memref<8192x1024xf32, #tpu.memory_space<hbm>> -> memref<16x1024xf32, #tpu.memory_space<hbm>>
      tpu.wait_dma2 semaphore(%arg15 : memref<!tpu.dma_semaphore, #tpu.memory_space<semaphore_mem>>) src(%arg7 : memref<16x1024xf32, #tpu.memory_space<vmem>>) dst(%dma_wait3A_157 : memref<16x1024xf32, #tpu.memory_space<hbm>>)
      %add3A_158 = arith.constant 4 : i32
      %add3A_159 = arith.addi %add3A_138, %add3A_158 : i32
      %sub3A_160 = arith.constant 1 : i32
      %sub3A_161 = arith.subi %add3A_159, %sub3A_160 : i32
      %mul3A_162 = arith.constant 16 : i32
      %mul3A_163 = arith.muli %sub3A_161, %mul3A_162 : i32
      %dma_start3A_164 = tpu.memref_slice %arg5[%mul3A_163] : memref<256xi32, #tpu.memory_space<vmem>> -> memref<16xi32, #tpu.memory_space<vmem>>
      %dma_start3A_165 = arith.constant 0 : i32
      %dma_start3A_166 = arith.constant 0 : i32
      %dma_start3A_167 = tpu.memref_slice %arg3[%dma_start3A_165, %dma_start3A_166] : memref<100000x1024xf32, #tpu.memory_space<hbm>> -> memref<100000x1024xf32, #tpu.memory_space<hbm>>
      tpu.enqueue_indirect_dma source(%dma_start3A_167 : memref<100000x1024xf32, #tpu.memory_space<hbm>>) target(%arg7 : memref<16x1024xf32, #tpu.memory_space<vmem>>) offsets(%dma_start3A_164 : memref<16xi32, #tpu.memory_space<vmem>>) semaphore(%arg11 : memref<!tpu.dma_semaphore, #tpu.memory_space<semaphore_mem>>)
      %mul3A_168 = arith.constant 4 : i32
      %mul3A_169 = arith.muli %mul3A_168, %scan3A_98 : i32
      %add3A_170 = arith.constant 2 : i32
      %add3A_171 = arith.addi %mul3A_169, %add3A_170 : i32
      %add3A_172 = arith.constant 1 : i32
      %add3A_173 = arith.addi %add3A_171, %add3A_172 : i32
      %dma_wait3A_174 = arith.constant 0 : i32
      %dma_wait3A_175 = arith.constant 0 : i32
      %dma_wait3A_176 = tpu.memref_slice %arg3[%dma_wait3A_174, %dma_wait3A_175] : memref<100000x1024xf32, #tpu.memory_space<hbm>> -> memref<16x1024xf32, #tpu.memory_space<hbm>>
      %dma_wait3A_177 = arith.constant 0 : i32
      %dma_wait3A_178 = arith.constant 0 : i32
      %dma_wait3A_179 = tpu.memref_slice %arg3[%dma_wait3A_177, %dma_wait3A_178] : memref<100000x1024xf32, #tpu.memory_space<hbm>> -> memref<16x1024xf32, #tpu.memory_space<hbm>>
      tpu.wait_dma2 semaphore(%arg13 : memref<!tpu.dma_semaphore, #tpu.memory_space<semaphore_mem>>) src(%dma_wait3A_179 : memref<16x1024xf32, #tpu.memory_space<hbm>>) dst(%arg9 : memref<16x1024xf32, #tpu.memory_space<vmem>>)
      %mul3A_180 = arith.constant 16 : i32
      %mul3A_181 = arith.muli %add3A_173, %mul3A_180 : i32
      %add3A_182 = arith.addi %mul3A_2, %mul3A_181 : i32
      %dma_start3A_183 = arith.constant 0 : i32
      %dma_start3A_184 = tpu.memref_slice %arg4[%add3A_182, %dma_start3A_183] : memref<8192x1024xf32, #tpu.memory_space<hbm>> -> memref<16x1024xf32, #tpu.memory_space<hbm>>
      %dma_start3A_185 = arith.constant 0 : i32
      %dma_start3A_186 = tpu.memref_slice %arg4[%add3A_182, %dma_start3A_185] : memref<8192x1024xf32, #tpu.memory_space<hbm>> -> memref<16x1024xf32, #tpu.memory_space<hbm>>
      tpu.enqueue_dma source(%arg9 : memref<16x1024xf32, #tpu.memory_space<vmem>>) target(%dma_start3A_186 : memref<16x1024xf32, #tpu.memory_space<hbm>>) target_semaphore(%arg17 : memref<!tpu.dma_semaphore, #tpu.memory_space<semaphore_mem>>)
      %dma_wait3A_187 = arith.constant 0 : i32
      %dma_wait3A_188 = arith.constant 0 : i32
      %dma_wait3A_189 = tpu.memref_slice %arg4[%dma_wait3A_187, %dma_wait3A_188] : memref<8192x1024xf32, #tpu.memory_space<hbm>> -> memref<16x1024xf32, #tpu.memory_space<hbm>>
      %dma_wait3A_190 = arith.constant 0 : i32
      %dma_wait3A_191 = arith.constant 0 : i32
      %dma_wait3A_192 = tpu.memref_slice %arg4[%dma_wait3A_190, %dma_wait3A_191] : memref<8192x1024xf32, #tpu.memory_space<hbm>> -> memref<16x1024xf32, #tpu.memory_space<hbm>>
      tpu.wait_dma2 semaphore(%arg16 : memref<!tpu.dma_semaphore, #tpu.memory_space<semaphore_mem>>) src(%arg8 : memref<16x1024xf32, #tpu.memory_space<vmem>>) dst(%dma_wait3A_192 : memref<16x1024xf32, #tpu.memory_space<hbm>>)
      %add3A_193 = arith.constant 4 : i32
      %add3A_194 = arith.addi %add3A_173, %add3A_193 : i32
      %sub3A_195 = arith.constant 1 : i32
      %sub3A_196 = arith.subi %add3A_194, %sub3A_195 : i32
      %mul3A_197 = arith.constant 16 : i32
      %mul3A_198 = arith.muli %sub3A_196, %mul3A_197 : i32
      %dma_start3A_199 = tpu.memref_slice %arg5[%mul3A_198] : memref<256xi32, #tpu.memory_space<vmem>> -> memref<16xi32, #tpu.memory_space<vmem>>
      %dma_start3A_200 = arith.constant 0 : i32
      %dma_start3A_201 = arith.constant 0 : i32
      %dma_start3A_202 = tpu.memref_slice %arg3[%dma_start3A_200, %dma_start3A_201] : memref<100000x1024xf32, #tpu.memory_space<hbm>> -> memref<100000x1024xf32, #tpu.memory_space<hbm>>
      tpu.enqueue_indirect_dma source(%dma_start3A_202 : memref<100000x1024xf32, #tpu.memory_space<hbm>>) target(%arg8 : memref<16x1024xf32, #tpu.memory_space<vmem>>) offsets(%dma_start3A_199 : memref<16xi32, #tpu.memory_space<vmem>>) semaphore(%arg12 : memref<!tpu.dma_semaphore, #tpu.memory_space<semaphore_mem>>)
      %mul3A_203 = arith.constant 4 : i32
      %mul3A_204 = arith.muli %mul3A_203, %scan3A_98 : i32
      %add3A_205 = arith.constant 3 : i32
      %add3A_206 = arith.addi %mul3A_204, %add3A_205 : i32
      %add3A_207 = arith.constant 1 : i32
      %add3A_208 = arith.addi %add3A_206, %add3A_207 : i32
      %dma_wait3A_209 = arith.constant 0 : i32
      %dma_wait3A_210 = arith.constant 0 : i32
      %dma_wait3A_211 = tpu.memref_slice %arg3[%dma_wait3A_209, %dma_wait3A_210] : memref<100000x1024xf32, #tpu.memory_space<hbm>> -> memref<16x1024xf32, #tpu.memory_space<hbm>>
      %dma_wait3A_212 = arith.constant 0 : i32
      %dma_wait3A_213 = arith.constant 0 : i32
      %dma_wait3A_214 = tpu.memref_slice %arg3[%dma_wait3A_212, %dma_wait3A_213] : memref<100000x1024xf32, #tpu.memory_space<hbm>> -> memref<16x1024xf32, #tpu.memory_space<hbm>>
      tpu.wait_dma2 semaphore(%arg10 : memref<!tpu.dma_semaphore, #tpu.memory_space<semaphore_mem>>) src(%dma_wait3A_214 : memref<16x1024xf32, #tpu.memory_space<hbm>>) dst(%arg6 : memref<16x1024xf32, #tpu.memory_space<vmem>>)
      %mul3A_215 = arith.constant 16 : i32
      %mul3A_216 = arith.muli %add3A_208, %mul3A_215 : i32
      %add3A_217 = arith.addi %mul3A_2, %mul3A_216 : i32
      %dma_start3A_218 = arith.constant 0 : i32
      %dma_start3A_219 = tpu.memref_slice %arg4[%add3A_217, %dma_start3A_218] : memref<8192x1024xf32, #tpu.memory_space<hbm>> -> memref<16x1024xf32, #tpu.memory_space<hbm>>
      %dma_start3A_220 = arith.constant 0 : i32
      %dma_start3A_221 = tpu.memref_slice %arg4[%add3A_217, %dma_start3A_220] : memref<8192x1024xf32, #tpu.memory_space<hbm>> -> memref<16x1024xf32, #tpu.memory_space<hbm>>
      tpu.enqueue_dma source(%arg6 : memref<16x1024xf32, #tpu.memory_space<vmem>>) target(%dma_start3A_221 : memref<16x1024xf32, #tpu.memory_space<hbm>>) target_semaphore(%arg14 : memref<!tpu.dma_semaphore, #tpu.memory_space<semaphore_mem>>)
      %dma_wait3A_222 = arith.constant 0 : i32
      %dma_wait3A_223 = arith.constant 0 : i32
      %dma_wait3A_224 = tpu.memref_slice %arg4[%dma_wait3A_222, %dma_wait3A_223] : memref<8192x1024xf32, #tpu.memory_space<hbm>> -> memref<16x1024xf32, #tpu.memory_space<hbm>>
      %dma_wait3A_225 = arith.constant 0 : i32
      %dma_wait3A_226 = arith.constant 0 : i32
      %dma_wait3A_227 = tpu.memref_slice %arg4[%dma_wait3A_225, %dma_wait3A_226] : memref<8192x1024xf32, #tpu.memory_space<hbm>> -> memref<16x1024xf32, #tpu.memory_space<hbm>>
      tpu.wait_dma2 semaphore(%arg17 : memref<!tpu.dma_semaphore, #tpu.memory_space<semaphore_mem>>) src(%arg9 : memref<16x1024xf32, #tpu.memory_space<vmem>>) dst(%dma_wait3A_227 : memref<16x1024xf32, #tpu.memory_space<hbm>>)
      %add3A_228 = arith.constant 4 : i32
      %add3A_229 = arith.addi %add3A_208, %add3A_228 : i32
      %sub3A_230 = arith.constant 1 : i32
      %sub3A_231 = arith.subi %add3A_229, %sub3A_230 : i32
      %mul3A_232 = arith.constant 16 : i32
      %mul3A_233 = arith.muli %sub3A_231, %mul3A_232 : i32
      %dma_start3A_234 = tpu.memref_slice %arg5[%mul3A_233] : memref<256xi32, #tpu.memory_space<vmem>> -> memref<16xi32, #tpu.memory_space<vmem>>
      %dma_start3A_235 = arith.constant 0 : i32
      %dma_start3A_236 = arith.constant 0 : i32
      %dma_start3A_237 = tpu.memref_slice %arg3[%dma_start3A_235, %dma_start3A_236] : memref<100000x1024xf32, #tpu.memory_space<hbm>> -> memref<100000x1024xf32, #tpu.memory_space<hbm>>
      tpu.enqueue_indirect_dma source(%dma_start3A_237 : memref<100000x1024xf32, #tpu.memory_space<hbm>>) target(%arg9 : memref<16x1024xf32, #tpu.memory_space<vmem>>) offsets(%dma_start3A_234 : memref<16xi32, #tpu.memory_space<vmem>>) semaphore(%arg13 : memref<!tpu.dma_semaphore, #tpu.memory_space<semaphore_mem>>)
    }
    %scan3A_37 = arith.constant 3 : i32
    %dma_wait3A_38 = arith.constant 0 : i32
    %dma_wait3A_39 = arith.constant 0 : i32
    %dma_wait3A_40 = tpu.memref_slice %arg3[%dma_wait3A_38, %dma_wait3A_39] : memref<100000x1024xf32, #tpu.memory_space<hbm>> -> memref<16x1024xf32, #tpu.memory_space<hbm>>
    %dma_wait3A_41 = arith.constant 0 : i32
    %dma_wait3A_42 = arith.constant 0 : i32
    %dma_wait3A_43 = tpu.memref_slice %arg3[%dma_wait3A_41, %dma_wait3A_42] : memref<100000x1024xf32, #tpu.memory_space<hbm>> -> memref<16x1024xf32, #tpu.memory_space<hbm>>
    tpu.wait_dma2 semaphore(%arg11 : memref<!tpu.dma_semaphore, #tpu.memory_space<semaphore_mem>>) src(%dma_wait3A_43 : memref<16x1024xf32, #tpu.memory_space<hbm>>) dst(%arg7 : memref<16x1024xf32, #tpu.memory_space<vmem>>)
    %add3A_44 = arith.constant 208 : i32
    %add3A_45 = arith.addi %mul3A_2, %add3A_44 : i32
    %dma_start3A_46 = arith.constant 0 : i32
    %dma_start3A_47 = tpu.memref_slice %arg4[%add3A_45, %dma_start3A_46] : memref<8192x1024xf32, #tpu.memory_space<hbm>> -> memref<16x1024xf32, #tpu.memory_space<hbm>>
    %dma_start3A_48 = arith.constant 0 : i32
    %dma_start3A_49 = tpu.memref_slice %arg4[%add3A_45, %dma_start3A_48] : memref<8192x1024xf32, #tpu.memory_space<hbm>> -> memref<16x1024xf32, #tpu.memory_space<hbm>>
    tpu.enqueue_dma source(%arg7 : memref<16x1024xf32, #tpu.memory_space<vmem>>) target(%dma_start3A_49 : memref<16x1024xf32, #tpu.memory_space<hbm>>) target_semaphore(%arg15 : memref<!tpu.dma_semaphore, #tpu.memory_space<semaphore_mem>>)
    %dma_wait3A_50 = arith.constant 0 : i32
    %dma_wait3A_51 = arith.constant 0 : i32
    %dma_wait3A_52 = tpu.memref_slice %arg4[%dma_wait3A_50, %dma_wait3A_51] : memref<8192x1024xf32, #tpu.memory_space<hbm>> -> memref<16x1024xf32, #tpu.memory_space<hbm>>
    %dma_wait3A_53 = arith.constant 0 : i32
    %dma_wait3A_54 = arith.constant 0 : i32
    %dma_wait3A_55 = tpu.memref_slice %arg4[%dma_wait3A_53, %dma_wait3A_54] : memref<8192x1024xf32, #tpu.memory_space<hbm>> -> memref<16x1024xf32, #tpu.memory_space<hbm>>
    tpu.wait_dma2 semaphore(%arg14 : memref<!tpu.dma_semaphore, #tpu.memory_space<semaphore_mem>>) src(%arg6 : memref<16x1024xf32, #tpu.memory_space<vmem>>) dst(%dma_wait3A_55 : memref<16x1024xf32, #tpu.memory_space<hbm>>)
    %dma_wait3A_56 = arith.constant 0 : i32
    %dma_wait3A_57 = arith.constant 0 : i32
    %dma_wait3A_58 = tpu.memref_slice %arg3[%dma_wait3A_56, %dma_wait3A_57] : memref<100000x1024xf32, #tpu.memory_space<hbm>> -> memref<16x1024xf32, #tpu.memory_space<hbm>>
    %dma_wait3A_59 = arith.constant 0 : i32
    %dma_wait3A_60 = arith.constant 0 : i32
    %dma_wait3A_61 = tpu.memref_slice %arg3[%dma_wait3A_59, %dma_wait3A_60] : memref<100000x1024xf32, #tpu.memory_space<hbm>> -> memref<16x1024xf32, #tpu.memory_space<hbm>>
    tpu.wait_dma2 semaphore(%arg12 : memref<!tpu.dma_semaphore, #tpu.memory_space<semaphore_mem>>) src(%dma_wait3A_61 : memref<16x1024xf32, #tpu.memory_space<hbm>>) dst(%arg8 : memref<16x1024xf32, #tpu.memory_space<vmem>>)
    %add3A_62 = arith.constant 224 : i32
    %add3A_63 = arith.addi %mul3A_2, %add3A_62 : i32
    %dma_start3A_64 = arith.constant 0 : i32
    %dma_start3A_65 = tpu.memref_slice %arg4[%add3A_63, %dma_start3A_64] : memref<8192x1024xf32, #tpu.memory_space<hbm>> -> memref<16x1024xf32, #tpu.memory_space<hbm>>
    %dma_start3A_66 = arith.constant 0 : i32
    %dma_start3A_67 = tpu.memref_slice %arg4[%add3A_63, %dma_start3A_66] : memref<8192x1024xf32, #tpu.memory_space<hbm>> -> memref<16x1024xf32, #tpu.memory_space<hbm>>
    tpu.enqueue_dma source(%arg8 : memref<16x1024xf32, #tpu.memory_space<vmem>>) target(%dma_start3A_67 : memref<16x1024xf32, #tpu.memory_space<hbm>>) target_semaphore(%arg16 : memref<!tpu.dma_semaphore, #tpu.memory_space<semaphore_mem>>)
    %dma_wait3A_68 = arith.constant 0 : i32
    %dma_wait3A_69 = arith.constant 0 : i32
    %dma_wait3A_70 = tpu.memref_slice %arg4[%dma_wait3A_68, %dma_wait3A_69] : memref<8192x1024xf32, #tpu.memory_space<hbm>> -> memref<16x1024xf32, #tpu.memory_space<hbm>>
    %dma_wait3A_71 = arith.constant 0 : i32
    %dma_wait3A_72 = arith.constant 0 : i32
    %dma_wait3A_73 = tpu.memref_slice %arg4[%dma_wait3A_71, %dma_wait3A_72] : memref<8192x1024xf32, #tpu.memory_space<hbm>> -> memref<16x1024xf32, #tpu.memory_space<hbm>>
    tpu.wait_dma2 semaphore(%arg15 : memref<!tpu.dma_semaphore, #tpu.memory_space<semaphore_mem>>) src(%arg7 : memref<16x1024xf32, #tpu.memory_space<vmem>>) dst(%dma_wait3A_73 : memref<16x1024xf32, #tpu.memory_space<hbm>>)
    %dma_wait3A_74 = arith.constant 0 : i32
    %dma_wait3A_75 = arith.constant 0 : i32
    %dma_wait3A_76 = tpu.memref_slice %arg3[%dma_wait3A_74, %dma_wait3A_75] : memref<100000x1024xf32, #tpu.memory_space<hbm>> -> memref<16x1024xf32, #tpu.memory_space<hbm>>
    %dma_wait3A_77 = arith.constant 0 : i32
    %dma_wait3A_78 = arith.constant 0 : i32
    %dma_wait3A_79 = tpu.memref_slice %arg3[%dma_wait3A_77, %dma_wait3A_78] : memref<100000x1024xf32, #tpu.memory_space<hbm>> -> memref<16x1024xf32, #tpu.memory_space<hbm>>
    tpu.wait_dma2 semaphore(%arg13 : memref<!tpu.dma_semaphore, #tpu.memory_space<semaphore_mem>>) src(%dma_wait3A_79 : memref<16x1024xf32, #tpu.memory_space<hbm>>) dst(%arg9 : memref<16x1024xf32, #tpu.memory_space<vmem>>)
    %add3A_80 = arith.constant 240 : i32
    %add3A_81 = arith.addi %mul3A_2, %add3A_80 : i32
    %dma_start3A_82 = arith.constant 0 : i32
    %dma_start3A_83 = tpu.memref_slice %arg4[%add3A_81, %dma_start3A_82] : memref<8192x1024xf32, #tpu.memory_space<hbm>> -> memref<16x1024xf32, #tpu.memory_space<hbm>>
    %dma_start3A_84 = arith.constant 0 : i32
    %dma_start3A_85 = tpu.memref_slice %arg4[%add3A_81, %dma_start3A_84] : memref<8192x1024xf32, #tpu.memory_space<hbm>> -> memref<16x1024xf32, #tpu.memory_space<hbm>>
    tpu.enqueue_dma source(%arg9 : memref<16x1024xf32, #tpu.memory_space<vmem>>) target(%dma_start3A_85 : memref<16x1024xf32, #tpu.memory_space<hbm>>) target_semaphore(%arg17 : memref<!tpu.dma_semaphore, #tpu.memory_space<semaphore_mem>>)
    %dma_wait3A_86 = arith.constant 0 : i32
    %dma_wait3A_87 = arith.constant 0 : i32
    %dma_wait3A_88 = tpu.memref_slice %arg4[%dma_wait3A_86, %dma_wait3A_87] : memref<8192x1024xf32, #tpu.memory_space<hbm>> -> memref<16x1024xf32, #tpu.memory_space<hbm>>
    %dma_wait3A_89 = arith.constant 0 : i32
    %dma_wait3A_90 = arith.constant 0 : i32
    %dma_wait3A_91 = tpu.memref_slice %arg4[%dma_wait3A_89, %dma_wait3A_90] : memref<8192x1024xf32, #tpu.memory_space<hbm>> -> memref<16x1024xf32, #tpu.memory_space<hbm>>
    tpu.wait_dma2 semaphore(%arg16 : memref<!tpu.dma_semaphore, #tpu.memory_space<semaphore_mem>>) src(%arg8 : memref<16x1024xf32, #tpu.memory_space<vmem>>) dst(%dma_wait3A_91 : memref<16x1024xf32, #tpu.memory_space<hbm>>)
    %dma_wait3A_92 = arith.constant 0 : i32
    %dma_wait3A_93 = arith.constant 0 : i32
    %dma_wait3A_94 = tpu.memref_slice %arg4[%dma_wait3A_92, %dma_wait3A_93] : memref<8192x1024xf32, #tpu.memory_space<hbm>> -> memref<16x1024xf32, #tpu.memory_space<hbm>>
    %dma_wait3A_95 = arith.constant 0 : i32
    %dma_wait3A_96 = arith.constant 0 : i32
    %dma_wait3A_97 = tpu.memref_slice %arg4[%dma_wait3A_95, %dma_wait3A_96] : memref<8192x1024xf32, #tpu.memory_space<hbm>> -> memref<16x1024xf32, #tpu.memory_space<hbm>>
    tpu.wait_dma2 semaphore(%arg17 : memref<!tpu.dma_semaphore, #tpu.memory_space<semaphore_mem>>) src(%arg9 : memref<16x1024xf32, #tpu.memory_space<vmem>>) dst(%dma_wait3A_97 : memref<16x1024xf32, #tpu.memory_space<hbm>>)
    return
  }
}

module attributes {stable_mosaic.version = 14 : i64} {
  func.func @body(%arg0: i32, %arg1: i32, %arg2: memref<1024x1024xf32, #tpu.memory_space<vmem>>, %arg3: memref<1024x1024xf32, #tpu.memory_space<vmem>>, %arg4: memref<1x1024xf32, #tpu.memory_space<vmem>>, %arg5: memref<1x1024xf32, #tpu.memory_space<vmem>>, %arg6: memref<1024x1024xf32, #tpu.memory_space<vmem>>) attributes {dimension_semantics = [#tpu.dimension_semantics<arbitrary>, #tpu.dimension_semantics<arbitrary>], iteration_bounds = array<i64: 2, 4>, scalar_prefetch = 0 : i64, scratch_operands = 0 : i64, tpu.core_type = #tpu.core_type<tc>, window_params = [{transform_indices = @transform_0, window_bounds = array<i64: 1024, 1024>}, {transform_indices = @transform_1, window_bounds = array<i64: 1024, 1024>}, {pipeline_mode = #tpu.pipeline_mode<synchronous>, transform_indices = @transform_2, window_bounds = array<i64: 1, 1024>}, {pipeline_mode = #tpu.pipeline_mode<synchronous>, transform_indices = @transform_3, window_bounds = array<i64: 1, 1024>}, {transform_indices = @transform_4, window_bounds = array<i64: 1024, 1024>}]} {
    %get3A = arith.constant 0 : index
    %get3A_0 = arith.constant 0 : index
    %get3A_1 = vector.load %arg2[%get3A, %get3A_0] : memref<1024x1024xf32, #tpu.memory_space<vmem>>, vector<1024x1024xf32>
    %mul3A = arith.constant 3.200000e+01 : f32
    %mul3A_2 = vector.broadcast %mul3A : f32 to vector<1024x1024xf32>
    %mul3A_3 = arith.mulf %get3A_1, %mul3A_2 : vector<1024x1024xf32>
    %get3A_4 = arith.constant 0 : index
    %get3A_5 = arith.constant 0 : index
    %get3A_6 = vector.load %arg3[%get3A_4, %get3A_5] : memref<1024x1024xf32, #tpu.memory_space<vmem>>, vector<1024x1024xf32>
    %add3A = arith.addf %mul3A_3, %get3A_6 : vector<1024x1024xf32>
    %reduce_sum3A = arith.constant dense<0.000000e+00> : vector<1024xf32>
    %reduce_sum3A_7 = vector.multi_reduction <add>, %add3A, %reduce_sum3A [1] : vector<1024x1024xf32> to vector<1024xf32>
    %broadcast_in_dim3A = vector.shape_cast %reduce_sum3A_7 : vector<1024xf32> to vector<1024x1xf32>
    %div3A = arith.constant 1.024000e+03 : f32
    %div3A_8 = vector.broadcast %div3A : f32 to vector<1024x1xf32>
    %div3A_9 = arith.divf %broadcast_in_dim3A, %div3A_8 : vector<1024x1xf32>
    %sub3A = vector.broadcast %div3A_9 : vector<1024x1xf32> to vector<1024x1024xf32>
    %sub3A_10 = arith.subf %add3A, %sub3A : vector<1024x1024xf32>
    %mul3A_11 = arith.mulf %sub3A_10, %sub3A_10 : vector<1024x1024xf32>
    %reduce_sum3A_12 = arith.constant dense<0.000000e+00> : vector<1024xf32>
    %reduce_sum3A_13 = vector.multi_reduction <add>, %mul3A_11, %reduce_sum3A_12 [1] : vector<1024x1024xf32> to vector<1024xf32>
    %broadcast_in_dim3A_14 = vector.shape_cast %reduce_sum3A_13 : vector<1024xf32> to vector<1024x1xf32>
    %div3A_15 = arith.constant 1.024000e+03 : f32
    %div3A_16 = vector.broadcast %div3A_15 : f32 to vector<1024x1xf32>
    %div3A_17 = arith.divf %broadcast_in_dim3A_14, %div3A_16 : vector<1024x1xf32>
    %add3A_18 = arith.constant 9.99999974E-6 : f32
    %add3A_19 = vector.broadcast %add3A_18 : f32 to vector<1024x1xf32>
    %add3A_20 = arith.addf %div3A_17, %add3A_19 : vector<1024x1xf32>
    %rsqrt3A = math.rsqrt %add3A_20 : vector<1024x1xf32>
    %mul3A_21 = vector.broadcast %rsqrt3A : vector<1024x1xf32> to vector<1024x1024xf32>
    %mul3A_22 = arith.mulf %sub3A_10, %mul3A_21 : vector<1024x1024xf32>
    %get3A_23 = arith.constant 0 : index
    %get3A_24 = arith.constant 0 : index
    %get3A_25 = vector.load %arg4[%get3A_23, %get3A_24] : memref<1x1024xf32, #tpu.memory_space<vmem>>, vector<1x1024xf32>
    %mul3A_26 = vector.broadcast %get3A_25 : vector<1x1024xf32> to vector<1024x1024xf32>
    %mul3A_27 = arith.mulf %mul3A_22, %mul3A_26 : vector<1024x1024xf32>
    %get3A_28 = arith.constant 0 : index
    %get3A_29 = arith.constant 0 : index
    %get3A_30 = vector.load %arg5[%get3A_28, %get3A_29] : memref<1x1024xf32, #tpu.memory_space<vmem>>, vector<1x1024xf32>
    %add3A_31 = vector.broadcast %get3A_30 : vector<1x1024xf32> to vector<1024x1024xf32>
    %add3A_32 = arith.addf %mul3A_27, %add3A_31 : vector<1024x1024xf32>
    %swap3A = arith.constant 0 : index
    %swap3A_33 = arith.constant 0 : index
    %swap3A_34 = vector.load %arg6[%swap3A, %swap3A_33] : memref<1024x1024xf32, #tpu.memory_space<vmem>>, vector<1024x1024xf32>
    tpu.vector_store %arg6[%swap3A, %swap3A_33], %add3A_32 {strides = array<i32>} : memref<1024x1024xf32, #tpu.memory_space<vmem>>, vector<1024x1024xf32>,
    return
  }
  func.func @transform_0(%arg0: i32, %arg1: i32) -> (i32, i32) {
    %mul3A = arith.constant 2 : i32
    %mul3A_0 = arith.muli %arg1, %mul3A : i32
    %add3A = arith.addi %mul3A_0, %arg0 : i32
    %c0_i32 = arith.constant 0 : i32
    %c0_i32_1 = arith.constant 0 : i32
    return %add3A, %c0_i32 : i32, i32
  }
  func.func @transform_1(%arg0: i32, %arg1: i32) -> (i32, i32) {
    %c0_i32 = arith.constant 0 : i32
    %c0_i32_0 = arith.constant 0 : i32
    return %arg0, %c0_i32 : i32, i32
  }
  func.func @transform_2(%arg0: i32, %arg1: i32) -> (i32, i32) {
    %c0_i32 = arith.constant 0 : i32
    %c0_i32_0 = arith.constant 0 : i32
    %c0_i32_1 = arith.constant 0 : i32
    return %c0_i32, %c0_i32_0 : i32, i32
  }
  func.func @transform_3(%arg0: i32, %arg1: i32) -> (i32, i32) {
    %c0_i32 = arith.constant 0 : i32
    %c0_i32_0 = arith.constant 0 : i32
    %c0_i32_1 = arith.constant 0 : i32
    return %c0_i32, %c0_i32_0 : i32, i32
  }
  func.func @transform_4(%arg0: i32, %arg1: i32) -> (i32, i32) {
    %mul3A = arith.constant 2 : i32
    %mul3A_0 = arith.muli %arg1, %mul3A : i32
    %add3A = arith.addi %mul3A_0, %arg0 : i32
    %c0_i32 = arith.constant 0 : i32
    %c0_i32_1 = arith.constant 0 : i32
    return %add3A, %c0_i32 : i32, i32
  }
}

</mosaic_0001>

<sc_bundles>
// kernel: kernel.4.cloned.1.call-start
scs
__scs_entry_jumppad:
0x0: {  	(pc) =	sbr.rel $0x88, $3  }
0x1: {  	(tag) =	ssettag $0x0;
	lr =	simm.s32 $0x1  }
0x2: {  	[smem:$0x3F9D] =	sst lr;
	_ =	strace $0xD0000000  }
0x3: {  	_ = 	snop  }
0x4: {  	_ = 	snop  }
0x5: {  	_ = 	snop  }
0x6: {  	_ = 	snop  }
0x7: {  	_ = 	snop  }
__scs_overlays_trampoline_lowered:
0x8: {  	[smem:$0x3FAC] =	sst s0  }
0x9: {  	[smem:$0x3FAD] =	sst s1  }
0xa: {  	[smem:$0x3FAE] =	sst s2  }
0xb: {  	[smem:$0x3FAF] =	sst s3  }
0xc: {  	[smem:$0x3FB0] =	sst s4  }
0xd: {  	[smem:$0x3FB1] =	sst s5  }
0xe: {  	[smem:$0x3FB2] =	sst s6  }
0xf: {  	[smem:$0x3FB3] =	sst s7  }
0x10: {  	[smem:$0x3FB4] =	sst s8  }
0x11: {  	[smem:$0x3FB5] =	sst s9;
	s0 =	simm.s32 @!p0 $0x0  }
0x12: {  	s1 =	sld [smem:$0x3F9B];
	s0 =	simm.s32 @p0 $0x1  }
0x13: {  	[smem:$0x3FB6] =	sst s0;
	s0 =	simm.s32 @!p1 $0x0  }
0x14: {  	s2 =	sld [smem:$0x3F9A];
	s0 =	simm.s32 @p1 $0x1  }
0x15: {  	[smem:$0x3FB7] =	sst s0;
	s0 =	simm.s32 @!p2 $0x0  }
0x16: {  	s3 =	sld [smem:$0x3FDB];
	s0 =	simm.s32 @p2 $0x1  }
0x17: {  	s4 =	simm.s32 $0x1BF5;
	[smem:$0x3FB9] =	sst s0  }
0x18: {  	s0 =	sld [smem:$0x3F9C];
	_ =	swait.ge [sflag:s4], $0x0  }
0x19: {  	s7 =	sld [smem:$0x3F9D]  }
0x1a: {  	s8 =	sadd.s32 $0xFFFFE003, lr  }
0x1b: {  	s9 =	sadd.s32 $0xFFFFFEF7, lr;
	s5 =	simm.s32 $0xFFFFFFFF;
	p2 =	slt.u32 s8, $0xFFFFF086  }
0x1c: {  	p1 =	slt.u32 s9, $0xF7A;
	s5 =	simm.s32 @!p2 $0x0  }
0x1d: {  	s5 =	simm.s32 @p1 $0x1;
	p0 =	seq.s32 s7, s2  }
0x1e: {  	s7 =	smul.u32 @!p0 $0xF7A, s2;
	p2 =	seq.s32 @!p0 s5, $0x0  }
0x1f: {  	s9 =	smul.u32 $0xF7A, s1;
	s8 =	simm.s32 @!p0 $0x1BF5;
	p2 =	por !p2, p0  }
0x20: {  	[sflag:s8] =	ssyncset.s32 @!p0 $0xFFFFF086;
	s6 =	sadd.s32 @!p0 s3, s7;
	s7 =	simm.s32 @!p0 $0x108  }
0x21: {  	s3 =	sadd.s32 s3, s9;
	s6 =	sadd.s32 @!p0 $0x88, s6;
	s7 =	simm.s32 @p2 $0x1082  }
0x22: {  	[simem:s7], [sflag:s8] =	dma.local @!p0 [hbm:s6], $0xF7A  }
0x23: {  	s9 =	sor.u32 $0xD0000000, s2;
	s6 =	simm.s32 $0x108;
	_ =	swait.ge @!p0 [sflag:s8], $0x0  }
0x24: {  	s3 =	sadd.s32 $0x88, s3;
	s6 =	simm.s32 @!p1 $0x1082;
	[sflag:s4] =	ssyncset.s32 $0xFFFFF086  }
0x25: {  	[simem:s6], [sflag:s4] =	dma.local [hbm:s3], $0xF7A  }
0x26: {  	[smem:$0x3F9D] =	sst s1;
	(tag) =	ssettag s2;
	_ =	strace s9  }
0x27: {  	s1 =	sld [smem:$0x3FAD]  }
0x28: {  	s2 =	sld [smem:$0x3FAE]  }
0x29: {  	s4 =	sld [smem:$0x3FB0]  }
0x2a: {  	p0 =	seq.s32 s5, $0x0;
	s5 =	sld [smem:$0x3FB1]  }
0x2b: {  	s6 =	sld [smem:$0x3FB2]  }
0x2c: {  	s7 =	sld [smem:$0x3FB3]  }
0x2d: {  	s3 =	simm.s32 $0x108;
	s8 =	sld [smem:$0x3FB4]  }
0x2e: {  	s3 =	simm.s32 @!p0 $0x1082;
	s9 =	sld [smem:$0x3FB5]  }
0x2f: {  	lr =	sadd.s32 s0, s3;
	s0 =	sld [smem:$0x3FAC]  }
0x30: {  	s3 =	sld [smem:$0x3FAF]  }
0x31: {  	[smem:$0x3FB8] =	sst s10  }
0x32: {  	s10 =	sld [smem:$0x3FB6];
	_ =	sdelay $0x3  }
0x33: {  	p0 =	seq.s32 s10, $0x1;
	s10 =	sld [smem:$0x3FB8];
	_ =	sdelay $0x3  }
0x34: {  	[smem:$0x3FB8] =	sst s10  }
0x35: {  	s10 =	sld [smem:$0x3FB7];
	_ =	sdelay $0x3  }
0x36: {  	p1 =	seq.s32 s10, $0x1;
	s10 =	sld [smem:$0x3FB8];
	_ =	sdelay $0x3  }
0x37: {  	[smem:$0x3FB8] =	sst s10  }
0x38: {  	s10 =	sld [smem:$0x3FB9]  }
0x39: {  	_ = 	snop;
	(pc) =	sbr.ind lr, $3  }
0x3a: {  	_ = 	snop  }
0x3b: {  	_ = 	snop  }
0x3c: {  	p2 =	seq.s32 s10, $0x1;
	s10 =	sld [smem:$0x3FB8]  }
0x3d: {  	_ =	shalt  }
0x3e: {  	_ =	shalt  }
0x3f: {  	_ =	shalt  }
0x40: {  	_ =	shalt  }
0x41: {  	_ =	shalt  }
0x42: {  	_ =	shalt  }
0x43: {  	_ =	shalt  }
0x44: {  	_ =	shalt  }
0x45: {  	_ =	shalt  }
0x46: {  	_ =	shalt  }
0x47: {  	_ =	shalt  }
0x48: {  	_ =	shalt  }
0x49: {  	_ =	shalt  }
0x4a: {  	_ =	shalt  }
0x4b: {  	_ =	shalt  }
0x4c: {  	_ =	shalt  }
0x4d: {  	_ =	shalt  }
0x4e: {  	_ =	shalt  }
0x4f: {  	_ =	shalt  }
0x50: {  	_ =	shalt  }
0x51: {  	_ =	shalt  }
0x52: {  	_ =	shalt  }
0x53: {  	_ =	shalt  }
0x54: {  	_ =	shalt  }
0x55: {  	_ =	shalt  }
0x56: {  	_ =	shalt  }
0x57: {  	_ =	shalt  }
0x58: {  	_ =	shalt  }
0x59: {  	_ =	shalt  }
0x5a: {  	_ =	shalt  }
0x5b: {  	_ =	shalt  }
0x5c: {  	_ =	shalt  }
0x5d: {  	_ =	shalt  }
0x5e: {  	_ =	shalt  }
0x5f: {  	_ =	shalt  }
0x60: {  	_ =	shalt  }
0x61: {  	_ =	shalt  }
0x62: {  	_ =	shalt  }
0x63: {  	_ =	shalt  }
0x64: {  	_ =	shalt  }
0x65: {  	_ =	shalt  }
0x66: {  	_ =	shalt  }
0x67: {  	_ =	shalt  }
0x68: {  	_ =	shalt  }
0x69: {  	_ =	shalt  }
0x6a: {  	_ =	shalt  }
0x6b: {  	_ =	shalt  }
0x6c: {  	_ =	shalt  }
0x6d: {  	_ =	shalt  }
0x6e: {  	_ =	shalt  }
0x6f: {  	_ =	shalt  }
0x70: {  	_ =	shalt  }
0x71: {  	_ =	shalt  }
0x72: {  	_ =	shalt  }
0x73: {  	_ =	shalt  }
0x74: {  	_ =	shalt  }
0x75: {  	_ =	shalt  }
0x76: {  	_ =	shalt  }
0x77: {  	_ =	shalt  }
0x78: {  	_ =	shalt  }
0x79: {  	_ =	shalt  }
0x7a: {  	_ =	shalt  }
0x7b: {  	_ =	shalt  }
0x7c: {  	_ =	shalt  }
0x7d: {  	_ =	shalt  }
0x7e: {  	_ =	shalt  }
0x7f: {  	_ =	shalt  }
0x80: {  	_ =	shalt  }
0x81: {  	_ =	shalt  }
0x82: {  	_ =	shalt  }
0x83: {  	_ =	shalt  }
0x84: {  	_ =	shalt  }
0x85: {  	_ =	shalt  }
0x86: {  	_ =	shalt  }
0x87: {  	_ =	shalt  }
.Lfunc_end0:
.L_simem_size_0:
called_computation_lowered:
.L_overlay_start_0:
0x88: {  	s2 =	sld [smem:$0x3FD9]  }
0x89: {  	s3 =	sld [smem:$0x3FFE];
	_ =	sdelay $0x1  }
0x8a: {  	s1 =	srdreg.scid  }
0x8b: {  	s0 =	sand.u32 $0x1, s1  }
0x8c: {  	s17 =	sshll.u32 s0, $0xA;
	s2 =	sadd.s32 s3, s2  }
0x8d: {  	s2 =	sadd.s32 s2, s17  }
0x8e: {  	[smem:$0x3FC4] =	sst s2  }
0x8f: {  	_ = 	snop  }
0x90: {  	s2 =	sld [smem:$0x3FC8]  }
0x91: {  	s18 =	sld [smem:$0x3FD0];
	(tm) =	ssettm $0x1  }
0x92: {  	s4 =	sld [smem:$0x3FFB];
	_ =	sdelay $0x3  }
0x93: {  	_ =	strace s4  }
0x94: {  	s4 =	sld [smem:$0x3FFC];
	_ =	sdelay $0x3  }
0x95: {  	_ =	strace s4  }
0x96: {  	s4 =	sld [smem:$0x3FFD];
	_ =	sdelay $0x3  }
0x97: {  	_ =	strace s4  }
0x98: {  	_ =	strace $0x8FFFFFFF  }
0x99: {  	s19 =	sld [smem:$0x3FDB];
	_ =	sdelay $0x1  }
0x9a: {  	s5 =	simm.s32 $_scs_section_size  }
0x9b: {  	s6 =	simm.s32 $_size__tile_overlayer_lowered;
	s7 =	simm.s32 $_tile_overlayer_lowered  }
0x9c: {  	s22 =	simm.s32 $0x1BFF;
	s21 =	sshll.u32 s7, $0x1;
	s4 =	sadd.s32 s5, s19  }
0x9d: {  	s8 =	simm.s32 $0x0;
	s20 =	sshll.u32 s6, $0x1;
	s6 =	sadd.s32 s21, s4  }
0x9e: {  	[timem:s8], [sflag:s22] =	dma.local [hbm:s6], s20  }
0x9f: {  	_ =	swait.ge [sflag:s22], s20  }
0xa0: {  	s5 =	ssub.s32 $0x0, s20;
	[sflag:s22] =	ssyncset.done $0x0  }
0xa1: {  	[sflag:s22] =	ssyncadd.s32 s5;
	_ =	sdelay $0x1  }
0xa2: {  	s23 =	simm.s32 $0x1B8B  }
0xa3: {  	_ =	swait.ge [sflag:s23], $0x1  }
0xa4: {  	[sflag:s23] =	ssyncset.done $0x0  }
0xa5: {  	s25 =	simm.s32 $0x1B8E;
	s24 =	sld [smem:$0x3FFE];
	[sflag:s23] =	ssyncadd.s32 $0xFFFFFFFF  }
0xa6: {  	s26 =	simm.s32 $execute0_lowered;
	[smem:$0x3FD2] =	sst s25  }
0xa7: {  	s6 =	sshll.u32 s26, $0x1;
	_ =	strace $0x80000046;
	[dreg:$0x1] =	wrdreg $0xFFFFFFFF  }
0xa8: {  	s28 =	simm.s32 $_size_execute0_lowered;
	s4 =	sadd.s32 s4, s6;
	[dreg:$0x0] =	wrdreg $0x0  }
0xa9: {  	s6 =	sshll.u32 s28, $0x1;
	[dreg:$0x2] =	wrdreg s4  }
0xaa: {  	[dreg:$0x3] =	wrdreg s6  }
0xab: {  	[dreg:$0x4] =	wrdreg $0xC0  }
0xac: {  	_ =	task [dreg:s8], $0x5FFFF  }
0xad: {  	[dreg:$0x1] =	wrdreg $0xFFFFFFFF  }
0xae: {  	[dreg:$0x0] =	wrdreg $0x60  }
0xaf: {  	[dreg:$0x2] =	wrdreg s18  }
0xb0: {  	[dreg:$0x3] =	wrdreg s2  }
0xb1: {  	[dreg:$0x4] =	wrdreg s24  }
0xb2: {  	[dreg:$0x5] =	wrdreg $0x9  }
0xb3: {  	_ =	task.clear_ibuf [dreg:s8], $0x6FFFF;
	_ =	strace $0x90000046  }
0xb4: {  	s29 =	simm.s32 $0x9;
	_ =	strace $0x80000048  }
0xb5: {  	_ =	swait.ge [sflag:s29], $0x1  }
0xb6: {  	[sflag:s29] =	ssyncadd.s32 $0xFFFFFFFF  }
0xb7: {  	_ =	strace $0x90000048  }
0xb8: {  	_ =	sfence  }
0xb9: {  	s30 =	sld [smem:$0x0];
	_ =	sdelay $0x2  }
0xba: {  	s31 =	sshll.u32 s1, $0xD;
	s1 =	sshrl.u32 s1, $0x2  }
0xbb: {  	s3 =	sand.u32 $0x4000, s31;
	s1 =	sadd.s32 s1, s30  }
0xbc: {  	s0 =	sor.u32 s3, s0;
	s1 =	sshll.u32 s1, $0x11  }
0xbd: {  	s0 =	sor.u32 s1, s0  }
0xbe: {  	s0 =	sadd.s32 $0x8F2B, s0  }
0xbf: {  	[sflag:s0] =	ssyncadd.remote.s32 $0x1  }
0xc0: {  	_ =	sfence.sel $0xFFFF  }
0xc1: {  	[dreg:$0x0] =	wrdreg $0xFFFFFFFF;
	(pc) =	sbr.abs _section_cstart, $3  }
0xc2: {  	[dreg:$0x1] =	wrdreg $0xFFFFFFFF  }
0xc3: {  	_ =	task.clear_ibuf [dreg:s8], $0x2FFFF;
	_ =	strace $0x9FFFFFFF  }
0xc4: {  	(tm) =	ssettm $0x7FFFFFFF  }
0xc5: {  	_ =	shalt  }
tec
execute0_lowered:
.L_overlay_start_1:
0x0: {  	(tag) =	ssettag $0x1  }
0x1: {  	s0 =	rddreg [dreg:$0x0]  }
0x2: {  	s1 =	rddreg [dreg:$0x1]  }
0x3: {  	s2 =	rddreg [dreg:$0x2];
	s3 =	simm.s32 $0x0;
	s4 =	srdreg.scid  }
0x4: {  	s10 =	stileid.u32;
	s11 =	simm.s32 $0x2900;
	s12 =	simm.s32 $0x3100  }
0x5: {  	s15 =	simm.s32 $0x3900;
	s31 =	simm.s32 $0x4100;
	s16 =	simm.s32 $0x4900  }
0x6: {  	s14 =	simm.s32 $0x6100;
	s13 =	simm.s32 $0xC100;
	s28 =	simm.s32 $0x4  }
0x7: {  	s29 =	simm.s32 $0x7;
	s30 =	simm.s32 $0x8;
	[smem:$0x7FF] =	sst s3  }
0x8: {  	s4 =	sand.u32 $0x1, s4;
	s6 =	sshll.u32 s10, $0x9;
	s2 =	sadd.s32 $0xA00, s2  }
0x9: {  	s19 =	sshll.u32 s10, $0x10;
	s10 =	simm.s32 $0x2100;
	s5 =	ssub.s32 $0x2, s4  }
0xa: {  	s7 =	sshll.u32 s4, $0x8;
	_ =	strace $0x80000047;
	s21 =	sadd.s32 s19, s2  }
0xb: {  	s22 =	sshll.u32 s4, $0xF;
	s19 =	simm.s32 $0x100;
	s4 =	simm.s32 $0x1100  }
0xc: {  	s8 =	sshrl.u32 s5, $0x1;
	s9 =	sor.u32 s7, s6;
	s6 =	sadd.s32 $0x200, s1  }
0xd: {  	s7 =	sadd.s32 $0x300, s1;
	s8 =	ssub.s32 s5, s8;
	s17 =	sshrl.u32 s9, $0x3  }
0xe: {  	s5 =	sadd.s32 $0x100, s1;
	s18 =	sshll.u32 s9, $0x7;
	s9 =	simm.s32 $0x8100  }
0xf: {  	s0 =	sadd.s32 s0, s17;
	s20 =	sadd.s32 s2, s18;
	s26 =	smax.u32 s8, $0x1  }
0x10: {  	s2 =	simm.s32 $0x900;
	s17 =	simm.s32 $0x5100;
	[dreg:$0x5] =	wrdreg s0  }
0x11: {  	s18 =	simm.s32 $0x5900;
	s8 =	simm.s32 $0x1;
	[dreg:$0x6] =	wrdreg s20  }
0x12: {  	s23 =	sadd.s32 $0x6800, s20;
	s24 =	sadd.s32 $0x7000, s20;
	[dreg:$0xa] =	wrdreg s26  }
0x13: {  	s0 =	sadd.s32 s22, s21;
	s25 =	sadd.s32 $0x7800, s20;
	[dreg:$0x7] =	wrdreg s23  }
0x14: {  	s21 =	simm.s32 $0x1900;
	s20 =	simm.s32 $0x6900;
	[dreg:$0x8] =	wrdreg s24  }
0x15: {  	v2 =	vlaneseq.u32;
	s22 =	simm.s32 $0x7100;
	s26 =	simm.s32 $0x6;
	[dreg:$0x9] =	wrdreg s25  }
0x16: {  	vm0 =	vmmov $0xffff;
	v1 =	vshrl.u32 v2, $0x3;
	[dreg:$0x4] =	wrdreg s0;
	s23 =	simm.s32 $0x2;
	s0 =	simm.s32 $0x0  }
0x17: {  	v0 =	vand.u32 $0x7, v2;
	v2 =	vor.u32 $0x8, v2;
	v1 =	vmul.u32 $0x8, v1;
	s24 =	simm.s32 $0x5;
	s25 =	simm.s32 $0x3;
	[dreg:$0xb] =	wrdreg s0  }
.LBB2_1:
0x18: {  	s0 =	rddreg [dreg:$0x5]  }
0x19: {  	[tilespmem:s3], [sflag:$0x9] =	stream.linear.gather [hbm4b:s0+s3], $0x100, $0x38;
	[tilespmem:$0x10100] =	vst v63  }
0x1a: {  	s0 =	simm.s32 $0x9  }
0x1b: {  	_ =	swait.ge [sflag:s0], $0x100  }
0x1c: {  	[sflag:s0] =	ssyncset.done $0x0  }
0x1d: {  	[sflag:s0] =	ssyncadd.s32 $0xFFFFFF00  }
0x1e: {  	v3 =	vld [tilespmem:$0x0];
	_ =	sdelay $0x4  }
0x1f: {  	v4 =	vshll.u32 v3, $0x3  }
0x20: {  	v3 =	vand.u32 $0x7, v3;
	v4 =	vand.u32 $0xFFFFFFC0, v4  }
0x21: {  	v3 =	vor.u32 v3, v4  }
0x22: {  	v4 =	vperm.xlane v3, v0;
	_ =	sdelay $0x1  }
0x23: {  	v4 =	vadd.s32 v1, v4;
	_ =	sdelay $0x4  }
0x24: {  	[tilespmem:s19], [sflag:$0x1] =	stream.indirect_vreg.gather [hbm4b:s1+s3], $0x80, v4, vm0, $0xb8;
	[tilespmem:$0x10100] =	vst v63  }
0x25: {  	v3 =	vperm.xlane v3, v2  }
0x26: {  	[tilespmem:s2], [sflag:$0x1] =	stream.indirect_vreg.gather [hbm4b:s5+s3], $0x80, v4, vm0, $0xb8;
	[tilespmem:$0x10100] =	vst v63  }
0x27: {  	v3 =	vadd.s32 v1, v3  }
0x28: {  	[tilespmem:s4], [sflag:$0x1] =	stream.indirect_vreg.gather [hbm4b:s6+s3], $0x80, v4, vm0, $0xb8;
	[tilespmem:$0x10100] =	vst v63  }
0x29: {  	_ = 	snop  }
0x2a: {  	[tilespmem:s21], [sflag:$0x1] =	stream.indirect_vreg.gather [hbm4b:s7+s3], $0x80, v4, vm0, $0xb8;
	[tilespmem:$0x10100] =	vst v63  }
0x2b: {  	_ = 	snop  }
0x2c: {  	[tilespmem:s10], [sflag:$0x1] =	stream.indirect_vreg.gather [hbm4b:s1+s3], $0x80, v3, vm0, $0xb8;
	[tilespmem:$0x10100] =	vst v63  }
0x2d: {  	_ = 	snop  }
0x2e: {  	[tilespmem:s11], [sflag:$0x1] =	stream.indirect_vreg.gather [hbm4b:s5+s3], $0x80, v3, vm0, $0xb8;
	[tilespmem:$0x10100] =	vst v63  }
0x2f: {  	_ = 	snop  }
0x30: {  	[tilespmem:s12], [sflag:$0x1] =	stream.indirect_vreg.gather [hbm4b:s6+s3], $0x80, v3, vm0, $0xb8;
	[tilespmem:$0x10100] =	vst v63  }
0x31: {  	_ = 	snop  }
0x32: {  	[tilespmem:s15], [sflag:$0x1] =	stream.indirect_vreg.gather [hbm4b:s7+s3], $0x80, v3, vm0, $0xb8;
	[tilespmem:$0x10100] =	vst v63  }
0x33: {  	v3 =	vld [tilespmem:$0x10];
	_ =	sdelay $0x4  }
0x34: {  	v61 =	vshll.u32 v3, $0x3  }
0x35: {  	v3 =	vand.u32 $0x7, v3;
	v4 =	vand.u32 $0xFFFFFFC0, v61  }
0x36: {  	v3 =	vor.u32 v3, v4  }
0x37: {  	v4 =	vperm.xlane v3, v0;
	_ =	sdelay $0x1  }
0x38: {  	v4 =	vadd.s32 v1, v4;
	_ =	sdelay $0x4  }
0x39: {  	[tilespmem:s31], [sflag:$0x2] =	stream.indirect_vreg.gather [hbm4b:s1+s3], $0x80, v4, vm0, $0xb8;
	[tilespmem:$0x10100] =	vst v63  }
0x3a: {  	v3 =	vperm.xlane v3, v2  }
0x3b: {  	[tilespmem:s16], [sflag:$0x2] =	stream.indirect_vreg.gather [hbm4b:s5+s3], $0x80, v4, vm0, $0xb8;
	[tilespmem:$0x10100] =	vst v63  }
0x3c: {  	v3 =	vadd.s32 v1, v3  }
0x3d: {  	[tilespmem:s17], [sflag:$0x2] =	stream.indirect_vreg.gather [hbm4b:s6+s3], $0x80, v4, vm0, $0xb8;
	[tilespmem:$0x10100] =	vst v63  }
0x3e: {  	_ = 	snop  }
0x3f: {  	[tilespmem:s18], [sflag:$0x2] =	stream.indirect_vreg.gather [hbm4b:s7+s3], $0x80, v4, vm0, $0xb8;
	[tilespmem:$0x10100] =	vst v63  }
0x40: {  	_ = 	snop  }
0x41: {  	[tilespmem:s14], [sflag:$0x2] =	stream.indirect_vreg.gather [hbm4b:s1+s3], $0x80, v3, vm0, $0xb8;
	[tilespmem:$0x10100] =	vst v63  }
0x42: {  	_ = 	snop  }
0x43: {  	[tilespmem:s20], [sflag:$0x2] =	stream.indirect_vreg.gather [hbm4b:s5+s3], $0x80, v3, vm0, $0xb8;
	[tilespmem:$0x10100] =	vst v63  }
0x44: {  	_ = 	snop  }
0x45: {  	[tilespmem:s22], [sflag:$0x2] =	stream.indirect_vreg.gather [hbm4b:s6+s3], $0x80, v3, vm0, $0xb8;
	[tilespmem:$0x10100] =	vst v63  }
0x46: {  	s4 =	simm.s32 $0x7900  }
0x47: {  	[tilespmem:s4], [sflag:$0x2] =	stream.indirect_vreg.gather [hbm4b:s7+s3], $0x80, v3, vm0, $0xb8;
	[tilespmem:$0x10100] =	vst v63  }
0x48: {  	v3 =	vld [tilespmem:$0x20];
	_ =	sdelay $0x4  }
0x49: {  	v62 =	vshll.u32 v3, $0x3  }
0x4a: {  	v3 =	vand.u32 $0x7, v3;
	v4 =	vand.u32 $0xFFFFFFC0, v62  }
0x4b: {  	v3 =	vor.u32 v3, v4  }
0x4c: {  	v4 =	vperm.xlane v3, v0;
	_ =	sdelay $0x1  }
0x4d: {  	v4 =	vadd.s32 v1, v4;
	_ =	sdelay $0x4  }
0x4e: {  	[tilespmem:s9], [sflag:$0x3] =	stream.indirect_vreg.gather [hbm4b:s1+s3], $0x80, v4, vm0, $0xb8;
	[tilespmem:$0x10100] =	vst v63  }
0x4f: {  	s10 =	simm.s32 $0x8900;
	v3 =	vperm.xlane v3, v2  }
0x50: {  	[tilespmem:s10], [sflag:$0x3] =	stream.indirect_vreg.gather [hbm4b:s5+s3], $0x80, v4, vm0, $0xb8;
	[tilespmem:$0x10100] =	vst v63  }
0x51: {  	s11 =	simm.s32 $0x9100;
	v3 =	vadd.s32 v1, v3  }
0x52: {  	[tilespmem:s11], [sflag:$0x3] =	stream.indirect_vreg.gather [hbm4b:s6+s3], $0x80, v4, vm0, $0xb8;
	[tilespmem:$0x10100] =	vst v63  }
0x53: {  	s12 =	simm.s32 $0x9900  }
0x54: {  	[tilespmem:s12], [sflag:$0x3] =	stream.indirect_vreg.gather [hbm4b:s7+s3], $0x80, v4, vm0, $0xb8;
	[tilespmem:$0x10100] =	vst v63  }
0x55: {  	s14 =	simm.s32 $0xA100  }
0x56: {  	[tilespmem:s14], [sflag:$0x3] =	stream.indirect_vreg.gather [hbm4b:s1+s3], $0x80, v3, vm0, $0xb8;
	[tilespmem:$0x10100] =	vst v63  }
0x57: {  	s15 =	simm.s32 $0xA900  }
0x58: {  	[tilespmem:s15], [sflag:$0x3] =	stream.indirect_vreg.gather [hbm4b:s5+s3], $0x80, v3, vm0, $0xb8;
	[tilespmem:$0x10100] =	vst v63  }
0x59: {  	s16 =	simm.s32 $0xB100  }
0x5a: {  	[tilespmem:s16], [sflag:$0x3] =	stream.indirect_vreg.gather [hbm4b:s6+s3], $0x80, v3, vm0, $0xb8;
	[tilespmem:$0x10100] =	vst v63  }
0x5b: {  	s17 =	simm.s32 $0xB900  }
0x5c: {  	[tilespmem:s17], [sflag:$0x3] =	stream.indirect_vreg.gather [hbm4b:s7+s3], $0x80, v3, vm0, $0xb8;
	[tilespmem:$0x10100] =	vst v63  }
0x5d: {  	_ =	swait.ge [sflag:s8], $0x4000  }
0x5e: {  	[sflag:s8] =	ssyncset.done $0x0  }
0x5f: {  	s18 =	rddreg [dreg:$0x6];
	[sflag:s8] =	ssyncadd.s32 $0xFFFFC000  }
0x60: {  	[hbm4b:s18+s3] =	stream.linear.scatter [tilespmem:s19], [sflag:$0x5], $0x4000, $0x38;
	[tilespmem:$0x10100] =	vst v63  }
0x61: {  	v3 =	vld [tilespmem:$0x30];
	_ =	sdelay $0x4  }
0x62: {  	v63 =	vshll.u32 v3, $0x3  }
0x63: {  	v3 =	vand.u32 $0x7, v3;
	v4 =	vand.u32 $0xFFFFFFC0, v63  }
0x64: {  	v3 =	vor.u32 v3, v4  }
0x65: {  	v4 =	vperm.xlane v3, v0;
	_ =	sdelay $0x1  }
0x66: {  	v4 =	vadd.s32 v1, v4;
	_ =	sdelay $0x4  }
0x67: {  	[tilespmem:s13], [sflag:$0x4] =	stream.indirect_vreg.gather [hbm4b:s1+s3], $0x80, v4, vm0, $0xb8;
	[tilespmem:$0x10100] =	vst v63  }
0x68: {  	s19 =	simm.s32 $0xC900;
	v3 =	vperm.xlane v3, v2  }
0x69: {  	[tilespmem:s19], [sflag:$0x4] =	stream.indirect_vreg.gather [hbm4b:s5+s3], $0x80, v4, vm0, $0xb8;
	[tilespmem:$0x10100] =	vst v63  }
0x6a: {  	s20 =	simm.s32 $0xD100;
	v3 =	vadd.s32 v1, v3  }
0x6b: {  	[tilespmem:s20], [sflag:$0x4] =	stream.indirect_vreg.gather [hbm4b:s6+s3], $0x80, v4, vm0, $0xb8;
	[tilespmem:$0x10100] =	vst v63  }
0x6c: {  	s0 =	simm.s32 $0x70;
	s2 =	simm.s32 $0x0;
	s21 =	simm.s32 $0xD900  }
0x6d: {  	[tilespmem:s21], [sflag:$0x4] =	stream.indirect_vreg.gather [hbm4b:s7+s3], $0x80, v4, vm0, $0xb8;
	[tilespmem:$0x10100] =	vst v63  }
0x6e: {  	s31 =	simm.s32 $0xE900;
	s22 =	simm.s32 $0xE100;
	s11 =	simm.s32 $0xF900  }
0x6f: {  	[tilespmem:s22], [sflag:$0x4] =	stream.indirect_vreg.gather [hbm4b:s1+s3], $0x80, v3, vm0, $0xb8;
	[tilespmem:$0x10100] =	vst v63  }
0x70: {  	s12 =	simm.s32 $0x1900;
	s14 =	simm.s32 $0x6100;
	s16 =	simm.s32 $0xF100  }
0x71: {  	[tilespmem:s31], [sflag:$0x4] =	stream.indirect_vreg.gather [hbm4b:s5+s3], $0x80, v3, vm0, $0xb8;
	[tilespmem:$0x10100] =	vst v63  }
0x72: {  	s17 =	simm.s32 $0x3100;
	s18 =	simm.s32 $0x7100;
	s19 =	simm.s32 $0x4900  }
0x73: {  	[tilespmem:s16], [sflag:$0x4] =	stream.indirect_vreg.gather [hbm4b:s6+s3], $0x80, v3, vm0, $0xb8;
	[tilespmem:$0x10100] =	vst v63  }
0x74: {  	s20 =	simm.s32 $0x5100;
	s21 =	simm.s32 $0x6900;
	s22 =	simm.s32 $0x100  }
0x75: {  	[tilespmem:s11], [sflag:$0x4] =	stream.indirect_vreg.gather [hbm4b:s7+s3], $0x80, v3, vm0, $0xb8;
	[tilespmem:$0x10100] =	vst v63  }
.LBB2_2:
0x76: {  	_ =	swait.ge [sflag:s23], $0x4000  }
0x77: {  	s4 =	rddreg [dreg:$0x4]  }
0x78: {  	[sflag:s23] =	ssyncset.done $0x0;
	s4 =	sadd.s32 s2, s4  }
0x79: {  	s15 =	simm.s32 $0x4100;
	[sflag:s23] =	ssyncadd.s32 $0xFFFFC000;
	s9 =	sadd.s32 $0x800, s4  }
0x7a: {  	[hbm4b:s9+s3] =	stream.linear.scatter [tilespmem:s15], [sflag:$0x6], $0x4000, $0x38;
	[tilespmem:$0x10100] =	vst v63  }
0x7b: {  	_ =	swait.ge [sflag:s24], $0x4000  }
0x7c: {  	[sflag:s24] =	ssyncset.done $0x0  }
0x7d: {  	[sflag:s24] =	ssyncadd.s32 $0xFFFFC000  }
0x7e: {  	v3 =	vld [tilespmem:s0+$0xFFFFFFD0];
	_ =	sdelay $0x4  }
0x7f: {  	v4 =	vshll.u32 v3, $0x3  }
0x80: {  	v3 =	vand.u32 $0x7, v3;
	v4 =	vand.u32 $0xFFFFFFC0, v4  }
0x81: {  	v3 =	vor.u32 v3, v4  }
0x82: {  	v4 =	vperm.xlane v3, v0;
	_ =	sdelay $0x1  }
0x83: {  	v4 =	vadd.s32 v1, v4;
	_ =	sdelay $0x4  }
0x84: {  	[tilespmem:s22], [sflag:$0x1] =	stream.indirect_vreg.gather [hbm4b:s1+s3], $0x80, v4, vm0, $0xb8;
	[tilespmem:$0x10100] =	vst v63  }
0x85: {  	s10 =	simm.s32 $0x900;
	v3 =	vperm.xlane v3, v2  }
0x86: {  	[tilespmem:s10], [sflag:$0x1] =	stream.indirect_vreg.gather [hbm4b:s5+s3], $0x80, v4, vm0, $0xb8;
	[tilespmem:$0x10100] =	vst v63  }
0x87: {  	v3 =	vadd.s32 v1, v3;
	s10 =	simm.s32 $0x1100  }
0x88: {  	[tilespmem:s10], [sflag:$0x1] =	stream.indirect_vreg.gather [hbm4b:s6+s3], $0x80, v4, vm0, $0xb8;
	[tilespmem:$0x10100] =	vst v63  }
0x89: {  	_ = 	snop  }
0x8a: {  	[tilespmem:s12], [sflag:$0x1] =	stream.indirect_vreg.gather [hbm4b:s7+s3], $0x80, v4, vm0, $0xb8;
	[tilespmem:$0x10100] =	vst v63  }
0x8b: {  	s10 =	simm.s32 $0x2100  }
0x8c: {  	[tilespmem:s10], [sflag:$0x1] =	stream.indirect_vreg.gather [hbm4b:s1+s3], $0x80, v3, vm0, $0xb8;
	[tilespmem:$0x10100] =	vst v63  }
0x8d: {  	s10 =	simm.s32 $0x2900  }
0x8e: {  	[tilespmem:s10], [sflag:$0x1] =	stream.indirect_vreg.gather [hbm4b:s5+s3], $0x80, v3, vm0, $0xb8;
	[tilespmem:$0x10100] =	vst v63  }
0x8f: {  	_ = 	snop  }
0x90: {  	[tilespmem:s17], [sflag:$0x1] =	stream.indirect_vreg.gather [hbm4b:s6+s3], $0x80, v3, vm0, $0xb8;
	[tilespmem:$0x10100] =	vst v63  }
0x91: {  	s10 =	simm.s32 $0x3900  }
0x92: {  	[tilespmem:s10], [sflag:$0x1] =	stream.indirect_vreg.gather [hbm4b:s7+s3], $0x80, v3, vm0, $0xb8;
	[tilespmem:$0x10100] =	vst v63  }
0x93: {  	_ =	swait.ge [sflag:s25], $0x4000  }
0x94: {  	[sflag:s25] =	ssyncset.done $0x0  }
0x95: {  	s9 =	sadd.s32 $0x1000, s4;
	s10 =	simm.s32 $0x8100;
	[sflag:s25] =	ssyncadd.s32 $0xFFFFC000  }
0x96: {  	[hbm4b:s9+s3] =	stream.linear.scatter [tilespmem:s10], [sflag:$0x7], $0x4000, $0x38;
	[tilespmem:$0x10100] =	vst v63  }
0x97: {  	_ =	swait.ge [sflag:s26], $0x4000  }
0x98: {  	[sflag:s26] =	ssyncset.done $0x0  }
0x99: {  	[sflag:s26] =	ssyncadd.s32 $0xFFFFC000  }
0x9a: {  	v3 =	vld [tilespmem:s0+$0xFFFFFFE0];
	_ =	sdelay $0x4  }
0x9b: {  	v61 =	vshll.u32 v3, $0x3  }
0x9c: {  	v3 =	vand.u32 $0x7, v3;
	v4 =	vand.u32 $0xFFFFFFC0, v61  }
0x9d: {  	v3 =	vor.u32 v3, v4  }
0x9e: {  	v4 =	vperm.xlane v3, v0;
	_ =	sdelay $0x1  }
0x9f: {  	v4 =	vadd.s32 v1, v4;
	_ =	sdelay $0x4  }
0xa0: {  	[tilespmem:s15], [sflag:$0x2] =	stream.indirect_vreg.gather [hbm4b:s1+s3], $0x80, v4, vm0, $0xb8;
	[tilespmem:$0x10100] =	vst v63  }
0xa1: {  	v3 =	vperm.xlane v3, v2  }
0xa2: {  	[tilespmem:s19], [sflag:$0x2] =	stream.indirect_vreg.gather [hbm4b:s5+s3], $0x80, v4, vm0, $0xb8;
	[tilespmem:$0x10100] =	vst v63  }
0xa3: {  	v3 =	vadd.s32 v1, v3  }
0xa4: {  	[tilespmem:s20], [sflag:$0x2] =	stream.indirect_vreg.gather [hbm4b:s6+s3], $0x80, v4, vm0, $0xb8;
	[tilespmem:$0x10100] =	vst v63  }
0xa5: {  	s15 =	simm.s32 $0x5900  }
0xa6: {  	[tilespmem:s15], [sflag:$0x2] =	stream.indirect_vreg.gather [hbm4b:s7+s3], $0x80, v4, vm0, $0xb8;
	[tilespmem:$0x10100] =	vst v63  }
0xa7: {  	_ = 	snop  }
0xa8: {  	[tilespmem:s14], [sflag:$0x2] =	stream.indirect_vreg.gather [hbm4b:s1+s3], $0x80, v3, vm0, $0xb8;
	[tilespmem:$0x10100] =	vst v63  }
0xa9: {  	_ = 	snop  }
0xaa: {  	[tilespmem:s21], [sflag:$0x2] =	stream.indirect_vreg.gather [hbm4b:s5+s3], $0x80, v3, vm0, $0xb8;
	[tilespmem:$0x10100] =	vst v63  }
0xab: {  	_ = 	snop  }
0xac: {  	[tilespmem:s18], [sflag:$0x2] =	stream.indirect_vreg.gather [hbm4b:s6+s3], $0x80, v3, vm0, $0xb8;
	[tilespmem:$0x10100] =	vst v63  }
0xad: {  	s15 =	simm.s32 $0x7900  }
0xae: {  	[tilespmem:s15], [sflag:$0x2] =	stream.indirect_vreg.gather [hbm4b:s7+s3], $0x80, v3, vm0, $0xb8;
	[tilespmem:$0x10100] =	vst v63  }
0xaf: {  	_ =	swait.ge [sflag:s28], $0x4000  }
0xb0: {  	[sflag:s28] =	ssyncset.done $0x0  }
0xb1: {  	s15 =	sadd.s32 $0x1800, s4;
	[sflag:s28] =	ssyncadd.s32 $0xFFFFC000  }
0xb2: {  	[hbm4b:s15+s3] =	stream.linear.scatter [tilespmem:s13], [sflag:$0x8], $0x4000, $0x38;
	[tilespmem:$0x10100] =	vst v63  }
0xb3: {  	_ =	swait.ge [sflag:s29], $0x4000  }
0xb4: {  	[sflag:s29] =	ssyncset.done $0x0  }
0xb5: {  	[sflag:s29] =	ssyncadd.s32 $0xFFFFC000  }
0xb6: {  	v3 =	vld [tilespmem:s0+$0xFFFFFFF0];
	_ =	sdelay $0x4  }
0xb7: {  	v62 =	vshll.u32 v3, $0x3  }
0xb8: {  	v3 =	vand.u32 $0x7, v3;
	v4 =	vand.u32 $0xFFFFFFC0, v62  }
0xb9: {  	v3 =	vor.u32 v3, v4  }
0xba: {  	v4 =	vperm.xlane v3, v0;
	_ =	sdelay $0x1  }
0xbb: {  	v4 =	vadd.s32 v1, v4;
	_ =	sdelay $0x4  }
0xbc: {  	[tilespmem:s10], [sflag:$0x3] =	stream.indirect_vreg.gather [hbm4b:s1+s3], $0x80, v4, vm0, $0xb8;
	[tilespmem:$0x10100] =	vst v63  }
0xbd: {  	s15 =	simm.s32 $0x8900;
	v3 =	vperm.xlane v3, v2  }
0xbe: {  	[tilespmem:s15], [sflag:$0x3] =	stream.indirect_vreg.gather [hbm4b:s5+s3], $0x80, v4, vm0, $0xb8;
	[tilespmem:$0x10100] =	vst v63  }
0xbf: {  	v3 =	vadd.s32 v1, v3;
	s15 =	simm.s32 $0x9100  }
0xc0: {  	[tilespmem:s15], [sflag:$0x3] =	stream.indirect_vreg.gather [hbm4b:s6+s3], $0x80, v4, vm0, $0xb8;
	[tilespmem:$0x10100] =	vst v63  }
0xc1: {  	s15 =	simm.s32 $0x9900  }
0xc2: {  	[tilespmem:s15], [sflag:$0x3] =	stream.indirect_vreg.gather [hbm4b:s7+s3], $0x80, v4, vm0, $0xb8;
	[tilespmem:$0x10100] =	vst v63  }
0xc3: {  	s15 =	simm.s32 $0xA100  }
0xc4: {  	[tilespmem:s15], [sflag:$0x3] =	stream.indirect_vreg.gather [hbm4b:s1+s3], $0x80, v3, vm0, $0xb8;
	[tilespmem:$0x10100] =	vst v63  }
0xc5: {  	s15 =	simm.s32 $0xA900  }
0xc6: {  	[tilespmem:s15], [sflag:$0x3] =	stream.indirect_vreg.gather [hbm4b:s5+s3], $0x80, v3, vm0, $0xb8;
	[tilespmem:$0x10100] =	vst v63  }
0xc7: {  	s15 =	simm.s32 $0xB100  }
0xc8: {  	[tilespmem:s15], [sflag:$0x3] =	stream.indirect_vreg.gather [hbm4b:s6+s3], $0x80, v3, vm0, $0xb8;
	[tilespmem:$0x10100] =	vst v63  }
0xc9: {  	s15 =	simm.s32 $0xB900  }
0xca: {  	[tilespmem:s15], [sflag:$0x3] =	stream.indirect_vreg.gather [hbm4b:s7+s3], $0x80, v3, vm0, $0xb8;
	[tilespmem:$0x10100] =	vst v63  }
0xcb: {  	_ =	swait.ge [sflag:s8], $0x4000  }
0xcc: {  	[sflag:s8] =	ssyncset.done $0x0  }
0xcd: {  	s4 =	sadd.s32 $0x2000, s4;
	[sflag:s8] =	ssyncadd.s32 $0xFFFFC000  }
0xce: {  	[hbm4b:s4+s3] =	stream.linear.scatter [tilespmem:s22], [sflag:$0x5], $0x4000, $0x38;
	[tilespmem:$0x10100] =	vst v63  }
0xcf: {  	_ =	swait.ge [sflag:s30], $0x4000  }
0xd0: {  	[sflag:s30] =	ssyncset.done $0x0  }
0xd1: {  	[sflag:s30] =	ssyncadd.s32 $0xFFFFC000  }
0xd2: {  	v3 =	vld [tilespmem:s0+$0x0];
	_ =	sdelay $0x4  }
0xd3: {  	v63 =	vshll.u32 v3, $0x3  }
0xd4: {  	v3 =	vand.u32 $0x7, v3;
	v4 =	vand.u32 $0xFFFFFFC0, v63  }
0xd5: {  	v3 =	vor.u32 v3, v4  }
0xd6: {  	v4 =	vperm.xlane v3, v0;
	_ =	sdelay $0x1  }
0xd7: {  	v4 =	vadd.s32 v1, v4;
	_ =	sdelay $0x4  }
0xd8: {  	[tilespmem:s13], [sflag:$0x4] =	stream.indirect_vreg.gather [hbm4b:s1+s3], $0x80, v4, vm0, $0xb8;
	[tilespmem:$0x10100] =	vst v63  }
0xd9: {  	s15 =	simm.s32 $0xC900;
	v3 =	vperm.xlane v3, v2  }
0xda: {  	[tilespmem:s15], [sflag:$0x4] =	stream.indirect_vreg.gather [hbm4b:s5+s3], $0x80, v4, vm0, $0xb8;
	[tilespmem:$0x10100] =	vst v63  }
0xdb: {  	s10 =	simm.s32 $0xD100;
	v3 =	vadd.s32 v1, v3  }
0xdc: {  	[tilespmem:s10], [sflag:$0x4] =	stream.indirect_vreg.gather [hbm4b:s6+s3], $0x80, v4, vm0, $0xb8;
	[tilespmem:$0x10100] =	vst v63  }
0xdd: {  	s15 =	simm.s32 $0xD900  }
0xde: {  	[tilespmem:s15], [sflag:$0x4] =	stream.indirect_vreg.gather [hbm4b:s7+s3], $0x80, v4, vm0, $0xb8;
	[tilespmem:$0x10100] =	vst v63  }
0xdf: {  	s10 =	simm.s32 $0xE100  }
0xe0: {  	[tilespmem:s10], [sflag:$0x4] =	stream.indirect_vreg.gather [hbm4b:s1+s3], $0x80, v3, vm0, $0xb8;
	[tilespmem:$0x10100] =	vst v63  }
0xe1: {  	p0 =	sne.s32 s2, $0x4000;
	s15 =	simm.s32 $0xE900  }
0xe2: {  	[tilespmem:s15], [sflag:$0x4] =	stream.indirect_vreg.gather [hbm4b:s5+s3], $0x80, v3, vm0, $0xb8;
	[tilespmem:$0x10100] =	vst v63  }
.Ltmp0:
0xe3: {  	_ = 	snop;
	(pc) =	sbr.rel @p0 .LBB2_2-.Ltmp0, $4  }
0xe4: {  	s31 =	simm.s32 $0x4100  }
0xe5: {  	[tilespmem:s16], [sflag:$0x4] =	stream.indirect_vreg.gather [hbm4b:s6+s3], $0x80, v3, vm0, $0xb8;
	[tilespmem:$0x10100] =	vst v63  }
0xe6: {  	s2 =	sadd.s32 $0x2000, s2;
	s9 =	simm.s32 $0x8100;
	s0 =	sadd.s32 $0x40, s0  }
0xe7: {  	[tilespmem:s11], [sflag:$0x4] =	stream.indirect_vreg.gather [hbm4b:s7+s3], $0x80, v3, vm0, $0xb8;
	[tilespmem:$0x10100] =	vst v63  }
0xe8: {  	_ =	swait.ge [sflag:s23], $0x4000  }
0xe9: {  	[sflag:s23] =	ssyncset.done $0x0  }
0xea: {  	s0 =	rddreg [dreg:$0x7];
	[sflag:s23] =	ssyncadd.s32 $0xFFFFC000  }
0xeb: {  	[hbm4b:s0+s3] =	stream.linear.scatter [tilespmem:s31], [sflag:$0x6], $0x4000, $0x38;
	[tilespmem:$0x10100] =	vst v63  }
0xec: {  	_ =	swait.ge [sflag:s24], $0x4000  }
0xed: {  	[sflag:s24] =	ssyncset.done $0x0  }
0xee: {  	[sflag:s24] =	ssyncadd.s32 $0xFFFFC000  }
0xef: {  	_ =	swait.ge [sflag:s25], $0x4000  }
0xf0: {  	[sflag:s25] =	ssyncset.done $0x0  }
0xf1: {  	s20 =	rddreg [dreg:$0x8];
	[sflag:s25] =	ssyncadd.s32 $0xFFFFC000  }
0xf2: {  	[hbm4b:s20+s3] =	stream.linear.scatter [tilespmem:s9], [sflag:$0x7], $0x4000, $0x38;
	[tilespmem:$0x10100] =	vst v63  }
0xf3: {  	_ =	swait.ge [sflag:s26], $0x4000  }
0xf4: {  	[sflag:s26] =	ssyncset.done $0x0  }
0xf5: {  	[sflag:s26] =	ssyncadd.s32 $0xFFFFC000  }
0xf6: {  	_ =	swait.ge [sflag:s28], $0x4000  }
0xf7: {  	[sflag:s28] =	ssyncset.done $0x0  }
0xf8: {  	s21 =	rddreg [dreg:$0x9];
	[sflag:s28] =	ssyncadd.s32 $0xFFFFC000  }
0xf9: {  	[hbm4b:s21+s3] =	stream.linear.scatter [tilespmem:s13], [sflag:$0x8], $0x4000, $0x38;
	[tilespmem:$0x10100] =	vst v63  }
0xfa: {  	_ =	swait.ge [sflag:s29], $0x4000  }
0xfb: {  	[sflag:s29] =	ssyncset.done $0x0  }
0xfc: {  	[sflag:s29] =	ssyncadd.s32 $0xFFFFC000  }
0xfd: {  	_ =	swait.ge [sflag:s30], $0x4000  }
0xfe: {  	s2 =	rddreg [dreg:$0xb]  }
0xff: {  	s4 =	simm.s32 $0x1100;
	s22 =	rddreg [dreg:$0xa];
	s2 =	sadd.s32 $0x1, s2  }
0x100: {  	s10 =	simm.s32 $0x2100;
	s11 =	simm.s32 $0x2900;
	p0 =	sne.s32 s2, s22  }
.Ltmp1:
0x101: {  	s12 =	simm.s32 $0x3100;
	s15 =	simm.s32 $0x3900;
	(pc) =	sbr.rel @p0 .LBB2_1-.Ltmp1, $4  }
0x102: {  	s16 =	simm.s32 $0x4900;
	s17 =	simm.s32 $0x5100;
	s18 =	simm.s32 $0x5900  }
0x103: {  	s14 =	simm.s32 $0x6100;
	s19 =	simm.s32 $0x100;
	[sflag:s30] =	ssyncset.done $0x0  }
0x104: {  	s20 =	simm.s32 $0x6900;
	s21 =	simm.s32 $0x1900;
	[sflag:s30] =	ssyncadd.s32 $0xFFFFC000  }
0x105: {  	[dreg:$0xb] =	wrdreg s2;
	s2 =	simm.s32 $0x900;
	s22 =	simm.s32 $0x7100  }
0x106: {  	_ =	sfence.sel $0x180000  }
0x107: {  	[bflag:$0x0] =	sbarrier.arrive $0xFFFF  }
0x108: {  	_ =	strace $0x90000047  }
0x109: {  	s0 =	stileid.u32;
	[bflag:$0x2] =	sbarrier.arrive $0xFFFF  }
0x10a: {  	p0 =	sne.s32 s0, $0x0;
	s0 =	rddreg [dreg:$0x3]  }
0x10b: {  	s0 =	sadd.s32 @!p0 $0x100000, s0  }
0x10c: {  	[sflag:s0] =	ssyncadd.tile.s32 @!p0 $0x1;
	_ =	shalt  }
.Lfunc_end2:
_tile_overlayer_lowered:
.L_overlay_start_2:
0x10d: {  	(tag) =	ssettag $0x2  }
0x10e: {  	s0 =	rddreg [dreg:$0x0];
	s2 =	stileid.u32  }
0x10f: {  	s1 =	rddreg [dreg:$0x1];
	p0 =	sne.s32 s2, $0x0  }
0x110: {  	s3 =	rddreg [dreg:$0x2];
	[bflag:$0x3] =	sbarrier.arrive $0xFFFF;
	s2 =	simm.s32 @!p0 $0x1C09  }
0x111: {  	[timem:s3], [sflag:s2] =	dma.local @!p0 [hbm:s0], s1  }
0x112: {  	s0 =	simm.s32 @!p0 $0x9  }
0x113: {  	_ =	swait.ge @!p0 [sflag:s0], s1  }
0x114: {  	s1 =	ssub.s32 @!p0 $0x0, s1;
	[sflag:s0] =	ssyncset.done @!p0 $0x0  }
0x115: {  	[sflag:s0] =	ssyncadd.s32 @!p0 s1  }
0x116: {  	[bflag:$0x3] =	sbarrier.arrive $0xFFFF  }
0x117: {  	_ =	shalt  }

</sc_bundles>
